<compile_context>
chip_gen: v7x
topology: tpu7x:2x2x1
jax: 0.10.2.dev20260603
libtpu: 0.0.44.dev20260713+nightly
codegen_flags: <defaults>
</compile_context>

<pallas_src>
import functools

import jax
import jax.numpy as jnp
from jax import lax
from jax.experimental import pallas as pl
from jax.experimental.pallas import tpu as pltpu
from jax.experimental.pallas import tpu_sc as plsc

CHUNK = 8
NBUF = 8


def _make_sc_gather(V, D, B):
    info = plsc.get_sparse_core_info()
    NW = info.num_cores * info.num_subcores
    NC = info.num_cores
    b_per_w = B // NW
    n_chunks = b_per_w // CHUNK
    n_outer = n_chunks // NBUF
    mesh = plsc.VectorSubcoreMesh(core_axis_name="c", subcore_axis_name="s")

    @functools.partial(
        pl.kernel,
        mesh=mesh,
        out_type=jax.ShapeDtypeStruct((B, D), jnp.float32),
        scratch_types=[
            pltpu.VMEM((n_chunks, CHUNK), jnp.int32),
            *[pltpu.VMEM((CHUNK, D), jnp.float32) for _ in range(NBUF)],
            *[pltpu.SemaphoreType.DMA for _ in range(2 * NBUF)],
        ],
    )
    def k(table_hbm, idx_hbm, out_hbm, idx_v, *rest):
        bufs = rest[:NBUF]
        gsems = rest[NBUF:2 * NBUF]
        ssems = rest[2 * NBUF:]
        wid = lax.axis_index("c") * (NW // NC) + lax.axis_index("s")
        base = wid * b_per_w
        pltpu.sync_copy(idx_hbm.at[wid], idx_v)

        def wait_gather(b, c):
            pltpu.make_async_copy(
                table_hbm.at[idx_v.at[c]], bufs[b], gsems[b]).wait()

        def start_store(b, c):
            pltpu.async_copy(
                bufs[b], out_hbm.at[pl.ds(base + c * CHUNK, CHUNK)], ssems[b])

        def wait_store(b, c):
            pltpu.make_async_copy(
                bufs[b], out_hbm.at[pl.ds(base + c * CHUNK, CHUNK)],
                ssems[b]).wait()

        for b in range(NBUF):
            pltpu.async_copy(table_hbm.at[idx_v.at[b]], bufs[b], gsems[b])

        def outer_body(i, carry):
            c0 = i * NBUF
            for b in range(NBUF):
                wait_gather(b, c0 + b)
                start_store(b, c0 + b)
            for b in range(NBUF):
                wait_store(b, c0 + b)
                pltpu.async_copy(
                    table_hbm.at[idx_v.at[c0 + b + NBUF]], bufs[b], gsems[b])
            return carry

        lax.fori_loop(0, n_outer - 1, outer_body, 0, unroll=False)

        c0 = (n_outer - 1) * NBUF
        for b in range(NBUF):
            wait_gather(b, c0 + b)
            start_store(b, c0 + b)
        for b in range(NBUF):
            wait_store(b, c0 + b)

    return k


def kernel(pos, wpe):
    B_, S_ = pos.shape
    V, D = wpe.shape
    flat = pos.reshape(-1).astype(jnp.int32)
    info = plsc.get_sparse_core_info()
    NW = info.num_cores * info.num_subcores
    idx3 = flat.reshape(NW, -1, CHUNK)
    out = _make_sc_gather(V, D, flat.shape[0])(wpe, idx3)
    return out.reshape(B_, S_, D)

# --- scband reference (transcript-rebuilt; emitter-appended) ---
"""Pipeline reference for scband-embedder-85504208929431 (READ-ONLY COPY).

The authoritative reference and input builder live on the scoring server;
editing this copy changes nothing except your own understanding.
"""

import jax, jax.numpy as jnp
import numpy as np

BLOCK_SIZE = 8192
N_EMBD = 1024
BATCH = 4
SEQ = 8192

def setup_inputs(seed: int = 0) -> dict:
    key = jax.random.key(seed)
    k1, k2 = jax.random.split(key)
    pos = jax.random.randint(k1, (BATCH, SEQ), 0, BLOCK_SIZE, dtype=jnp.int64 if jax.config.jax_enable_x64 else jnp.int32)
    wpe = jax.random.normal(k2, (BLOCK_SIZE, N_EMBD), dtype=jnp.float32) * 0.02
    return {"pos": pos, "wpe": wpe}

def reference(pos, wpe):
    # nn.Embedding lookup: out[b, s, :] = wpe[pos[b, s], :]
    return jnp.take(wpe, pos, axis=0)

if __name__ == "__main__":
    import jax
    _d = setup_inputs()
    print(jax.jit(kernel)(*tuple(_d.values())))

</pallas_src>

<mosaic_0001>
#map = affine_map<(d0, d1) -> (0, 0)>
#map1 = affine_map<(d0, d1) -> (0, 0, 0)>
module attributes {stable_mosaic.version = 14 : i64} {
  func.func @k(%arg0: i32, %arg1: i32, %arg2: memref<8192x1024xf32, #tpu.memory_space<hbm>>, %arg3: memref<32x128x8xi32, #tpu.memory_space<hbm>>, %arg4: memref<32768x1024xf32, #tpu.memory_space<hbm>>, %arg5: memref<128x8xi32, #tpu.memory_space<vmem>>, %arg6: memref<8x1024xf32, #tpu.memory_space<vmem>>, %arg7: memref<8x1024xf32, #tpu.memory_space<vmem>>, %arg8: memref<8x1024xf32, #tpu.memory_space<vmem>>, %arg9: memref<8x1024xf32, #tpu.memory_space<vmem>>, %arg10: memref<8x1024xf32, #tpu.memory_space<vmem>>, %arg11: memref<8x1024xf32, #tpu.memory_space<vmem>>, %arg12: memref<8x1024xf32, #tpu.memory_space<vmem>>, %arg13: memref<8x1024xf32, #tpu.memory_space<vmem>>, %arg14: memref<!tpu.dma_semaphore, #tpu.memory_space<semaphore_mem>>, %arg15: memref<!tpu.dma_semaphore, #tpu.memory_space<semaphore_mem>>, %arg16: memref<!tpu.dma_semaphore, #tpu.memory_space<semaphore_mem>>, %arg17: memref<!tpu.dma_semaphore, #tpu.memory_space<semaphore_mem>>, %arg18: memref<!tpu.dma_semaphore, #tpu.memory_space<semaphore_mem>>, %arg19: memref<!tpu.dma_semaphore, #tpu.memory_space<semaphore_mem>>, %arg20: memref<!tpu.dma_semaphore, #tpu.memory_space<semaphore_mem>>, %arg21: memref<!tpu.dma_semaphore, #tpu.memory_space<semaphore_mem>>, %arg22: memref<!tpu.dma_semaphore, #tpu.memory_space<semaphore_mem>>, %arg23: memref<!tpu.dma_semaphore, #tpu.memory_space<semaphore_mem>>, %arg24: memref<!tpu.dma_semaphore, #tpu.memory_space<semaphore_mem>>, %arg25: memref<!tpu.dma_semaphore, #tpu.memory_space<semaphore_mem>>, %arg26: memref<!tpu.dma_semaphore, #tpu.memory_space<semaphore_mem>>, %arg27: memref<!tpu.dma_semaphore, #tpu.memory_space<semaphore_mem>>, %arg28: memref<!tpu.dma_semaphore, #tpu.memory_space<semaphore_mem>>, %arg29: memref<!tpu.dma_semaphore, #tpu.memory_space<semaphore_mem>>) attributes {dimension_semantics = [#tpu.dimension_semantics<core_parallel>, #tpu.dimension_semantics<subcore_parallel>], iteration_bounds = array<i64: 2, 16>, scalar_prefetch = 0 : i64, scratch_operands = 25 : i64, tpu.core_type = #tpu.core_type<sc_vector_subcore>, window_params = [{transform_indices = #map}, {transform_indices = #map1}, {transform_indices = #map}]} {
    %mul3A = arith.constant 16 : i32
    %mul3A_0 = arith.muli %arg0, %mul3A : i32
    %add3A = arith.addi %mul3A_0, %arg1 : i32
    %mul3A_1 = arith.constant 1024 : i32
    %mul3A_2 = arith.muli %add3A, %mul3A_1 : i32
    "tpu.region"() ({
      %run_scoped3A = tpu.sem_alloc : memref<!tpu.dma_semaphore, #tpu.memory_space<semaphore_mem>>
      %dma_start3A_214 = arith.constant 0 : i32
      %dma_start3A_215 = arith.constant 0 : i32
      %dma_start3A_216 = tpu.memref_slice %arg3[%add3A, %dma_start3A_214, %dma_start3A_215] : memref<32x128x8xi32, #tpu.memory_space<hbm>> -> memref<1x128x8xi32, #tpu.memory_space<hbm>>
      %dma_start3A_217 = tpu.memref_squeeze %dma_start3A_216 : memref<1x128x8xi32, #tpu.memory_space<hbm>> -> memref<128x8xi32, #tpu.memory_space<hbm>>
      %dma_start3A_218 = arith.constant 0 : i32
      %dma_start3A_219 = arith.constant 0 : i32
      %dma_start3A_220 = tpu.memref_slice %arg3[%add3A, %dma_start3A_218, %dma_start3A_219] : memref<32x128x8xi32, #tpu.memory_space<hbm>> -> memref<1x128x8xi32, #tpu.memory_space<hbm>>
      %dma_start3A_221 = tpu.memref_squeeze %dma_start3A_220 : memref<1x128x8xi32, #tpu.memory_space<hbm>> -> memref<128x8xi32, #tpu.memory_space<hbm>>
      tpu.enqueue_dma source(%dma_start3A_221 : memref<128x8xi32, #tpu.memory_space<hbm>>) target(%arg5 : memref<128x8xi32, #tpu.memory_space<vmem>>) target_semaphore(%run_scoped3A : memref<!tpu.dma_semaphore, #tpu.memory_space<semaphore_mem>>)
      %dma_wait3A_222 = arith.constant 0 : i32
      %dma_wait3A_223 = arith.constant 0 : i32
      %dma_wait3A_224 = tpu.memref_slice %arg3[%add3A, %dma_wait3A_222, %dma_wait3A_223] : memref<32x128x8xi32, #tpu.memory_space<hbm>> -> memref<1x128x8xi32, #tpu.memory_space<hbm>>
      %dma_wait3A_225 = tpu.memref_squeeze %dma_wait3A_224 : memref<1x128x8xi32, #tpu.memory_space<hbm>> -> memref<128x8xi32, #tpu.memory_space<hbm>>
      %dma_wait3A_226 = arith.constant 0 : i32
      %dma_wait3A_227 = arith.constant 0 : i32
      %dma_wait3A_228 = tpu.memref_slice %arg3[%add3A, %dma_wait3A_226, %dma_wait3A_227] : memref<32x128x8xi32, #tpu.memory_space<hbm>> -> memref<1x128x8xi32, #tpu.memory_space<hbm>>
      %dma_wait3A_229 = tpu.memref_squeeze %dma_wait3A_228 : memref<1x128x8xi32, #tpu.memory_space<hbm>> -> memref<128x8xi32, #tpu.memory_space<hbm>>
      tpu.wait_dma2 semaphore(%run_scoped3A : memref<!tpu.dma_semaphore, #tpu.memory_space<semaphore_mem>>) src(%dma_wait3A_229 : memref<128x8xi32, #tpu.memory_space<hbm>>) dst(%arg5 : memref<128x8xi32, #tpu.memory_space<vmem>>)
      tpu.yield
    }) : () -> ()
    %dma_start3A = arith.constant 0 : i32
    %dma_start3A_3 = arith.constant 0 : i32
    %dma_start3A_4 = tpu.memref_slice %arg5[%dma_start3A, %dma_start3A_3] : memref<128x8xi32, #tpu.memory_space<vmem>> -> memref<1x8xi32, #tpu.memory_space<vmem>>
    %dma_start3A_5 = tpu.memref_squeeze %dma_start3A_4 : memref<1x8xi32, #tpu.memory_space<vmem>> -> memref<8xi32, #tpu.memory_space<vmem>>
    %dma_start3A_6 = arith.constant 0 : i32
    %dma_start3A_7 = arith.constant 0 : i32
    %dma_start3A_8 = tpu.memref_slice %arg2[%dma_start3A_6, %dma_start3A_7] : memref<8192x1024xf32, #tpu.memory_space<hbm>> -> memref<8192x1024xf32, #tpu.memory_space<hbm>>
    tpu.enqueue_indirect_dma source(%dma_start3A_8 : memref<8192x1024xf32, #tpu.memory_space<hbm>>) target(%arg6 : memref<8x1024xf32, #tpu.memory_space<vmem>>) offsets(%dma_start3A_5 : memref<8xi32, #tpu.memory_space<vmem>>) semaphore(%arg14 : memref<!tpu.dma_semaphore, #tpu.memory_space<semaphore_mem>>)
    %dma_start3A_9 = arith.constant 1 : i32
    %dma_start3A_10 = arith.constant 0 : i32
    %dma_start3A_11 = tpu.memref_slice %arg5[%dma_start3A_9, %dma_start3A_10] : memref<128x8xi32, #tpu.memory_space<vmem>> -> memref<1x8xi32, #tpu.memory_space<vmem>>
    %dma_start3A_12 = tpu.memref_squeeze %dma_start3A_11 : memref<1x8xi32, #tpu.memory_space<vmem>> -> memref<8xi32, #tpu.memory_space<vmem>>
    %dma_start3A_13 = arith.constant 0 : i32
    %dma_start3A_14 = arith.constant 0 : i32
    %dma_start3A_15 = tpu.memref_slice %arg2[%dma_start3A_13, %dma_start3A_14] : memref<8192x1024xf32, #tpu.memory_space<hbm>> -> memref<8192x1024xf32, #tpu.memory_space<hbm>>
    tpu.enqueue_indirect_dma source(%dma_start3A_15 : memref<8192x1024xf32, #tpu.memory_space<hbm>>) target(%arg7 : memref<8x1024xf32, #tpu.memory_space<vmem>>) offsets(%dma_start3A_12 : memref<8xi32, #tpu.memory_space<vmem>>) semaphore(%arg15 : memref<!tpu.dma_semaphore, #tpu.memory_space<semaphore_mem>>)
    %dma_start3A_16 = arith.constant 2 : i32
    %dma_start3A_17 = arith.constant 0 : i32
    %dma_start3A_18 = tpu.memref_slice %arg5[%dma_start3A_16, %dma_start3A_17] : memref<128x8xi32, #tpu.memory_space<vmem>> -> memref<1x8xi32, #tpu.memory_space<vmem>>
    %dma_start3A_19 = tpu.memref_squeeze %dma_start3A_18 : memref<1x8xi32, #tpu.memory_space<vmem>> -> memref<8xi32, #tpu.memory_space<vmem>>
    %dma_start3A_20 = arith.constant 0 : i32
    %dma_start3A_21 = arith.constant 0 : i32
    %dma_start3A_22 = tpu.memref_slice %arg2[%dma_start3A_20, %dma_start3A_21] : memref<8192x1024xf32, #tpu.memory_space<hbm>> -> memref<8192x1024xf32, #tpu.memory_space<hbm>>
    tpu.enqueue_indirect_dma source(%dma_start3A_22 : memref<8192x1024xf32, #tpu.memory_space<hbm>>) target(%arg8 : memref<8x1024xf32, #tpu.memory_space<vmem>>) offsets(%dma_start3A_19 : memref<8xi32, #tpu.memory_space<vmem>>) semaphore(%arg16 : memref<!tpu.dma_semaphore, #tpu.memory_space<semaphore_mem>>)
    %dma_start3A_23 = arith.constant 3 : i32
    %dma_start3A_24 = arith.constant 0 : i32
    %dma_start3A_25 = tpu.memref_slice %arg5[%dma_start3A_23, %dma_start3A_24] : memref<128x8xi32, #tpu.memory_space<vmem>> -> memref<1x8xi32, #tpu.memory_space<vmem>>
    %dma_start3A_26 = tpu.memref_squeeze %dma_start3A_25 : memref<1x8xi32, #tpu.memory_space<vmem>> -> memref<8xi32, #tpu.memory_space<vmem>>
    %dma_start3A_27 = arith.constant 0 : i32
    %dma_start3A_28 = arith.constant 0 : i32
    %dma_start3A_29 = tpu.memref_slice %arg2[%dma_start3A_27, %dma_start3A_28] : memref<8192x1024xf32, #tpu.memory_space<hbm>> -> memref<8192x1024xf32, #tpu.memory_space<hbm>>
    tpu.enqueue_indirect_dma source(%dma_start3A_29 : memref<8192x1024xf32, #tpu.memory_space<hbm>>) target(%arg9 : memref<8x1024xf32, #tpu.memory_space<vmem>>) offsets(%dma_start3A_26 : memref<8xi32, #tpu.memory_space<vmem>>) semaphore(%arg17 : memref<!tpu.dma_semaphore, #tpu.memory_space<semaphore_mem>>)
    %dma_start3A_30 = arith.constant 4 : i32
    %dma_start3A_31 = arith.constant 0 : i32
    %dma_start3A_32 = tpu.memref_slice %arg5[%dma_start3A_30, %dma_start3A_31] : memref<128x8xi32, #tpu.memory_space<vmem>> -> memref<1x8xi32, #tpu.memory_space<vmem>>
    %dma_start3A_33 = tpu.memref_squeeze %dma_start3A_32 : memref<1x8xi32, #tpu.memory_space<vmem>> -> memref<8xi32, #tpu.memory_space<vmem>>
    %dma_start3A_34 = arith.constant 0 : i32
    %dma_start3A_35 = arith.constant 0 : i32
    %dma_start3A_36 = tpu.memref_slice %arg2[%dma_start3A_34, %dma_start3A_35] : memref<8192x1024xf32, #tpu.memory_space<hbm>> -> memref<8192x1024xf32, #tpu.memory_space<hbm>>
    tpu.enqueue_indirect_dma source(%dma_start3A_36 : memref<8192x1024xf32, #tpu.memory_space<hbm>>) target(%arg10 : memref<8x1024xf32, #tpu.memory_space<vmem>>) offsets(%dma_start3A_33 : memref<8xi32, #tpu.memory_space<vmem>>) semaphore(%arg18 : memref<!tpu.dma_semaphore, #tpu.memory_space<semaphore_mem>>)
    %dma_start3A_37 = arith.constant 5 : i32
    %dma_start3A_38 = arith.constant 0 : i32
    %dma_start3A_39 = tpu.memref_slice %arg5[%dma_start3A_37, %dma_start3A_38] : memref<128x8xi32, #tpu.memory_space<vmem>> -> memref<1x8xi32, #tpu.memory_space<vmem>>
    %dma_start3A_40 = tpu.memref_squeeze %dma_start3A_39 : memref<1x8xi32, #tpu.memory_space<vmem>> -> memref<8xi32, #tpu.memory_space<vmem>>
    %dma_start3A_41 = arith.constant 0 : i32
    %dma_start3A_42 = arith.constant 0 : i32
    %dma_start3A_43 = tpu.memref_slice %arg2[%dma_start3A_41, %dma_start3A_42] : memref<8192x1024xf32, #tpu.memory_space<hbm>> -> memref<8192x1024xf32, #tpu.memory_space<hbm>>
    tpu.enqueue_indirect_dma source(%dma_start3A_43 : memref<8192x1024xf32, #tpu.memory_space<hbm>>) target(%arg11 : memref<8x1024xf32, #tpu.memory_space<vmem>>) offsets(%dma_start3A_40 : memref<8xi32, #tpu.memory_space<vmem>>) semaphore(%arg19 : memref<!tpu.dma_semaphore, #tpu.memory_space<semaphore_mem>>)
    %dma_start3A_44 = arith.constant 6 : i32
    %dma_start3A_45 = arith.constant 0 : i32
    %dma_start3A_46 = tpu.memref_slice %arg5[%dma_start3A_44, %dma_start3A_45] : memref<128x8xi32, #tpu.memory_space<vmem>> -> memref<1x8xi32, #tpu.memory_space<vmem>>
    %dma_start3A_47 = tpu.memref_squeeze %dma_start3A_46 : memref<1x8xi32, #tpu.memory_space<vmem>> -> memref<8xi32, #tpu.memory_space<vmem>>
    %dma_start3A_48 = arith.constant 0 : i32
    %dma_start3A_49 = arith.constant 0 : i32
    %dma_start3A_50 = tpu.memref_slice %arg2[%dma_start3A_48, %dma_start3A_49] : memref<8192x1024xf32, #tpu.memory_space<hbm>> -> memref<8192x1024xf32, #tpu.memory_space<hbm>>
    tpu.enqueue_indirect_dma source(%dma_start3A_50 : memref<8192x1024xf32, #tpu.memory_space<hbm>>) target(%arg12 : memref<8x1024xf32, #tpu.memory_space<vmem>>) offsets(%dma_start3A_47 : memref<8xi32, #tpu.memory_space<vmem>>) semaphore(%arg20 : memref<!tpu.dma_semaphore, #tpu.memory_space<semaphore_mem>>)
    %dma_start3A_51 = arith.constant 7 : i32
    %dma_start3A_52 = arith.constant 0 : i32
    %dma_start3A_53 = tpu.memref_slice %arg5[%dma_start3A_51, %dma_start3A_52] : memref<128x8xi32, #tpu.memory_space<vmem>> -> memref<1x8xi32, #tpu.memory_space<vmem>>
    %dma_start3A_54 = tpu.memref_squeeze %dma_start3A_53 : memref<1x8xi32, #tpu.memory_space<vmem>> -> memref<8xi32, #tpu.memory_space<vmem>>
    %dma_start3A_55 = arith.constant 0 : i32
    %dma_start3A_56 = arith.constant 0 : i32
    %dma_start3A_57 = tpu.memref_slice %arg2[%dma_start3A_55, %dma_start3A_56] : memref<8192x1024xf32, #tpu.memory_space<hbm>> -> memref<8192x1024xf32, #tpu.memory_space<hbm>>
    tpu.enqueue_indirect_dma source(%dma_start3A_57 : memref<8192x1024xf32, #tpu.memory_space<hbm>>) target(%arg13 : memref<8x1024xf32, #tpu.memory_space<vmem>>) offsets(%dma_start3A_54 : memref<8xi32, #tpu.memory_space<vmem>>) semaphore(%arg21 : memref<!tpu.dma_semaphore, #tpu.memory_space<semaphore_mem>>)
    %scan3A = arith.constant 0 : i32
    %scan3A_58 = arith.constant 0 : i32
    %scan3A_59 = arith.constant 15 : i32
    %scan3A_60 = arith.addi %scan3A_58, %scan3A_59 : i32
    %scan3A_61 = arith.constant 1 : i32
    scf.for %scan3A_214 = %scan3A_58 to %scan3A_60 step %scan3A_61  : i32 {
      %mul3A_215 = arith.constant 8 : i32
      %mul3A_216 = arith.muli %scan3A_214, %mul3A_215 : i32
      %add3A_217 = arith.constant 0 : i32
      %add3A_218 = arith.addi %mul3A_216, %add3A_217 : i32
      %dma_wait3A_219 = arith.constant 0 : i32
      %dma_wait3A_220 = tpu.memref_slice %arg5[%add3A_218, %dma_wait3A_219] : memref<128x8xi32, #tpu.memory_space<vmem>> -> memref<1x8xi32, #tpu.memory_space<vmem>>
      %dma_wait3A_221 = tpu.memref_squeeze %dma_wait3A_220 : memref<1x8xi32, #tpu.memory_space<vmem>> -> memref<8xi32, #tpu.memory_space<vmem>>
      %dma_wait3A_222 = arith.constant 0 : i32
      %dma_wait3A_223 = arith.constant 0 : i32
      %dma_wait3A_224 = tpu.memref_slice %arg2[%dma_wait3A_222, %dma_wait3A_223] : memref<8192x1024xf32, #tpu.memory_space<hbm>> -> memref<8192x1024xf32, #tpu.memory_space<hbm>>
      tpu.wait_indirect_dma semaphore(%arg14 : memref<!tpu.dma_semaphore, #tpu.memory_space<semaphore_mem>>) src(%dma_wait3A_224 : memref<8192x1024xf32, #tpu.memory_space<hbm>>) dst(%arg6 : memref<8x1024xf32, #tpu.memory_space<vmem>>)
      %add3A_225 = arith.constant 0 : i32
      %add3A_226 = arith.addi %mul3A_216, %add3A_225 : i32
      %mul3A_227 = arith.constant 8 : i32
      %mul3A_228 = arith.muli %add3A_226, %mul3A_227 : i32
      %add3A_229 = arith.addi %mul3A_2, %mul3A_228 : i32
      %dma_start3A_230 = arith.constant 0 : i32
      %dma_start3A_231 = tpu.memref_slice %arg4[%add3A_229, %dma_start3A_230] : memref<32768x1024xf32, #tpu.memory_space<hbm>> -> memref<8x1024xf32, #tpu.memory_space<hbm>>
      %dma_start3A_232 = arith.constant 0 : i32
      %dma_start3A_233 = tpu.memref_slice %arg4[%add3A_229, %dma_start3A_232] : memref<32768x1024xf32, #tpu.memory_space<hbm>> -> memref<8x1024xf32, #tpu.memory_space<hbm>>
      tpu.enqueue_dma source(%arg6 : memref<8x1024xf32, #tpu.memory_space<vmem>>) target(%dma_start3A_233 : memref<8x1024xf32, #tpu.memory_space<hbm>>) target_semaphore(%arg22 : memref<!tpu.dma_semaphore, #tpu.memory_space<semaphore_mem>>)
      %add3A_234 = arith.constant 1 : i32
      %add3A_235 = arith.addi %mul3A_216, %add3A_234 : i32
      %dma_wait3A_236 = arith.constant 0 : i32
      %dma_wait3A_237 = tpu.memref_slice %arg5[%add3A_235, %dma_wait3A_236] : memref<128x8xi32, #tpu.memory_space<vmem>> -> memref<1x8xi32, #tpu.memory_space<vmem>>
      %dma_wait3A_238 = tpu.memref_squeeze %dma_wait3A_237 : memref<1x8xi32, #tpu.memory_space<vmem>> -> memref<8xi32, #tpu.memory_space<vmem>>
      %dma_wait3A_239 = arith.constant 0 : i32
      %dma_wait3A_240 = arith.constant 0 : i32
      %dma_wait3A_241 = tpu.memref_slice %arg2[%dma_wait3A_239, %dma_wait3A_240] : memref<8192x1024xf32, #tpu.memory_space<hbm>> -> memref<8192x1024xf32, #tpu.memory_space<hbm>>
      tpu.wait_indirect_dma semaphore(%arg15 : memref<!tpu.dma_semaphore, #tpu.memory_space<semaphore_mem>>) src(%dma_wait3A_241 : memref<8192x1024xf32, #tpu.memory_space<hbm>>) dst(%arg7 : memref<8x1024xf32, #tpu.memory_space<vmem>>)
      %add3A_242 = arith.constant 1 : i32
      %add3A_243 = arith.addi %mul3A_216, %add3A_242 : i32
      %mul3A_244 = arith.constant 8 : i32
      %mul3A_245 = arith.muli %add3A_243, %mul3A_244 : i32
      %add3A_246 = arith.addi %mul3A_2, %mul3A_245 : i32
      %dma_start3A_247 = arith.constant 0 : i32
      %dma_start3A_248 = tpu.memref_slice %arg4[%add3A_246, %dma_start3A_247] : memref<32768x1024xf32, #tpu.memory_space<hbm>> -> memref<8x1024xf32, #tpu.memory_space<hbm>>
      %dma_start3A_249 = arith.constant 0 : i32
      %dma_start3A_250 = tpu.memref_slice %arg4[%add3A_246, %dma_start3A_249] : memref<32768x1024xf32, #tpu.memory_space<hbm>> -> memref<8x1024xf32, #tpu.memory_space<hbm>>
      tpu.enqueue_dma source(%arg7 : memref<8x1024xf32, #tpu.memory_space<vmem>>) target(%dma_start3A_250 : memref<8x1024xf32, #tpu.memory_space<hbm>>) target_semaphore(%arg23 : memref<!tpu.dma_semaphore, #tpu.memory_space<semaphore_mem>>)
      %add3A_251 = arith.constant 2 : i32
      %add3A_252 = arith.addi %mul3A_216, %add3A_251 : i32
      %dma_wait3A_253 = arith.constant 0 : i32
      %dma_wait3A_254 = tpu.memref_slice %arg5[%add3A_252, %dma_wait3A_253] : memref<128x8xi32, #tpu.memory_space<vmem>> -> memref<1x8xi32, #tpu.memory_space<vmem>>
      %dma_wait3A_255 = tpu.memref_squeeze %dma_wait3A_254 : memref<1x8xi32, #tpu.memory_space<vmem>> -> memref<8xi32, #tpu.memory_space<vmem>>
      %dma_wait3A_256 = arith.constant 0 : i32
      %dma_wait3A_257 = arith.constant 0 : i32
      %dma_wait3A_258 = tpu.memref_slice %arg2[%dma_wait3A_256, %dma_wait3A_257] : memref<8192x1024xf32, #tpu.memory_space<hbm>> -> memref<8192x1024xf32, #tpu.memory_space<hbm>>
      tpu.wait_indirect_dma semaphore(%arg16 : memref<!tpu.dma_semaphore, #tpu.memory_space<semaphore_mem>>) src(%dma_wait3A_258 : memref<8192x1024xf32, #tpu.memory_space<hbm>>) dst(%arg8 : memref<8x1024xf32, #tpu.memory_space<vmem>>)
      %add3A_259 = arith.constant 2 : i32
      %add3A_260 = arith.addi %mul3A_216, %add3A_259 : i32
      %mul3A_261 = arith.constant 8 : i32
      %mul3A_262 = arith.muli %add3A_260, %mul3A_261 : i32
      %add3A_263 = arith.addi %mul3A_2, %mul3A_262 : i32
      %dma_start3A_264 = arith.constant 0 : i32
      %dma_start3A_265 = tpu.memref_slice %arg4[%add3A_263, %dma_start3A_264] : memref<32768x1024xf32, #tpu.memory_space<hbm>> -> memref<8x1024xf32, #tpu.memory_space<hbm>>
      %dma_start3A_266 = arith.constant 0 : i32
      %dma_start3A_267 = tpu.memref_slice %arg4[%add3A_263, %dma_start3A_266] : memref<32768x1024xf32, #tpu.memory_space<hbm>> -> memref<8x1024xf32, #tpu.memory_space<hbm>>
      tpu.enqueue_dma source(%arg8 : memref<8x1024xf32, #tpu.memory_space<vmem>>) target(%dma_start3A_267 : memref<8x1024xf32, #tpu.memory_space<hbm>>) target_semaphore(%arg24 : memref<!tpu.dma_semaphore, #tpu.memory_space<semaphore_mem>>)
      %add3A_268 = arith.constant 3 : i32
      %add3A_269 = arith.addi %mul3A_216, %add3A_268 : i32
      %dma_wait3A_270 = arith.constant 0 : i32
      %dma_wait3A_271 = tpu.memref_slice %arg5[%add3A_269, %dma_wait3A_270] : memref<128x8xi32, #tpu.memory_space<vmem>> -> memref<1x8xi32, #tpu.memory_space<vmem>>
      %dma_wait3A_272 = tpu.memref_squeeze %dma_wait3A_271 : memref<1x8xi32, #tpu.memory_space<vmem>> -> memref<8xi32, #tpu.memory_space<vmem>>
      %dma_wait3A_273 = arith.constant 0 : i32
      %dma_wait3A_274 = arith.constant 0 : i32
      %dma_wait3A_275 = tpu.memref_slice %arg2[%dma_wait3A_273, %dma_wait3A_274] : memref<8192x1024xf32, #tpu.memory_space<hbm>> -> memref<8192x1024xf32, #tpu.memory_space<hbm>>
      tpu.wait_indirect_dma semaphore(%arg17 : memref<!tpu.dma_semaphore, #tpu.memory_space<semaphore_mem>>) src(%dma_wait3A_275 : memref<8192x1024xf32, #tpu.memory_space<hbm>>) dst(%arg9 : memref<8x1024xf32, #tpu.memory_space<vmem>>)
      %add3A_276 = arith.constant 3 : i32
      %add3A_277 = arith.addi %mul3A_216, %add3A_276 : i32
      %mul3A_278 = arith.constant 8 : i32
      %mul3A_279 = arith.muli %add3A_277, %mul3A_278 : i32
      %add3A_280 = arith.addi %mul3A_2, %mul3A_279 : i32
      %dma_start3A_281 = arith.constant 0 : i32
      %dma_start3A_282 = tpu.memref_slice %arg4[%add3A_280, %dma_start3A_281] : memref<32768x1024xf32, #tpu.memory_space<hbm>> -> memref<8x1024xf32, #tpu.memory_space<hbm>>
      %dma_start3A_283 = arith.constant 0 : i32
      %dma_start3A_284 = tpu.memref_slice %arg4[%add3A_280, %dma_start3A_283] : memref<32768x1024xf32, #tpu.memory_space<hbm>> -> memref<8x1024xf32, #tpu.memory_space<hbm>>
      tpu.enqueue_dma source(%arg9 : memref<8x1024xf32, #tpu.memory_space<vmem>>) target(%dma_start3A_284 : memref<8x1024xf32, #tpu.memory_space<hbm>>) target_semaphore(%arg25 : memref<!tpu.dma_semaphore, #tpu.memory_space<semaphore_mem>>)
      %add3A_285 = arith.constant 4 : i32
      %add3A_286 = arith.addi %mul3A_216, %add3A_285 : i32
      %dma_wait3A_287 = arith.constant 0 : i32
      %dma_wait3A_288 = tpu.memref_slice %arg5[%add3A_286, %dma_wait3A_287] : memref<128x8xi32, #tpu.memory_space<vmem>> -> memref<1x8xi32, #tpu.memory_space<vmem>>
      %dma_wait3A_289 = tpu.memref_squeeze %dma_wait3A_288 : memref<1x8xi32, #tpu.memory_space<vmem>> -> memref<8xi32, #tpu.memory_space<vmem>>
      %dma_wait3A_290 = arith.constant 0 : i32
      %dma_wait3A_291 = arith.constant 0 : i32
      %dma_wait3A_292 = tpu.memref_slice %arg2[%dma_wait3A_290, %dma_wait3A_291] : memref<8192x1024xf32, #tpu.memory_space<hbm>> -> memref<8192x1024xf32, #tpu.memory_space<hbm>>
      tpu.wait_indirect_dma semaphore(%arg18 : memref<!tpu.dma_semaphore, #tpu.memory_space<semaphore_mem>>) src(%dma_wait3A_292 : memref<8192x1024xf32, #tpu.memory_space<hbm>>) dst(%arg10 : memref<8x1024xf32, #tpu.memory_space<vmem>>)
      %add3A_293 = arith.constant 4 : i32
      %add3A_294 = arith.addi %mul3A_216, %add3A_293 : i32
      %mul3A_295 = arith.constant 8 : i32
      %mul3A_296 = arith.muli %add3A_294, %mul3A_295 : i32
      %add3A_297 = arith.addi %mul3A_2, %mul3A_296 : i32
      %dma_start3A_298 = arith.constant 0 : i32
      %dma_start3A_299 = tpu.memref_slice %arg4[%add3A_297, %dma_start3A_298] : memref<32768x1024xf32, #tpu.memory_space<hbm>> -> memref<8x1024xf32, #tpu.memory_space<hbm>>
      %dma_start3A_300 = arith.constant 0 : i32
      %dma_start3A_301 = tpu.memref_slice %arg4[%add3A_297, %dma_start3A_300] : memref<32768x1024xf32, #tpu.memory_space<hbm>> -> memref<8x1024xf32, #tpu.memory_space<hbm>>
      tpu.enqueue_dma source(%arg10 : memref<8x1024xf32, #tpu.memory_space<vmem>>) target(%dma_start3A_301 : memref<8x1024xf32, #tpu.memory_space<hbm>>) target_semaphore(%arg26 : memref<!tpu.dma_semaphore, #tpu.memory_space<semaphore_mem>>)
      %add3A_302 = arith.constant 5 : i32
      %add3A_303 = arith.addi %mul3A_216, %add3A_302 : i32
      %dma_wait3A_304 = arith.constant 0 : i32
      %dma_wait3A_305 = tpu.memref_slice %arg5[%add3A_303, %dma_wait3A_304] : memref<128x8xi32, #tpu.memory_space<vmem>> -> memref<1x8xi32, #tpu.memory_space<vmem>>
      %dma_wait3A_306 = tpu.memref_squeeze %dma_wait3A_305 : memref<1x8xi32, #tpu.memory_space<vmem>> -> memref<8xi32, #tpu.memory_space<vmem>>
      %dma_wait3A_307 = arith.constant 0 : i32
      %dma_wait3A_308 = arith.constant 0 : i32
      %dma_wait3A_309 = tpu.memref_slice %arg2[%dma_wait3A_307, %dma_wait3A_308] : memref<8192x1024xf32, #tpu.memory_space<hbm>> -> memref<8192x1024xf32, #tpu.memory_space<hbm>>
      tpu.wait_indirect_dma semaphore(%arg19 : memref<!tpu.dma_semaphore, #tpu.memory_space<semaphore_mem>>) src(%dma_wait3A_309 : memref<8192x1024xf32, #tpu.memory_space<hbm>>) dst(%arg11 : memref<8x1024xf32, #tpu.memory_space<vmem>>)
      %add3A_310 = arith.constant 5 : i32
      %add3A_311 = arith.addi %mul3A_216, %add3A_310 : i32
      %mul3A_312 = arith.constant 8 : i32
      %mul3A_313 = arith.muli %add3A_311, %mul3A_312 : i32
      %add3A_314 = arith.addi %mul3A_2, %mul3A_313 : i32
      %dma_start3A_315 = arith.constant 0 : i32
      %dma_start3A_316 = tpu.memref_slice %arg4[%add3A_314, %dma_start3A_315] : memref<32768x1024xf32, #tpu.memory_space<hbm>> -> memref<8x1024xf32, #tpu.memory_space<hbm>>
      %dma_start3A_317 = arith.constant 0 : i32
      %dma_start3A_318 = tpu.memref_slice %arg4[%add3A_314, %dma_start3A_317] : memref<32768x1024xf32, #tpu.memory_space<hbm>> -> memref<8x1024xf32, #tpu.memory_space<hbm>>
      tpu.enqueue_dma source(%arg11 : memref<8x1024xf32, #tpu.memory_space<vmem>>) target(%dma_start3A_318 : memref<8x1024xf32, #tpu.memory_space<hbm>>) target_semaphore(%arg27 : memref<!tpu.dma_semaphore, #tpu.memory_space<semaphore_mem>>)
      %add3A_319 = arith.constant 6 : i32
      %add3A_320 = arith.addi %mul3A_216, %add3A_319 : i32
      %dma_wait3A_321 = arith.constant 0 : i32
      %dma_wait3A_322 = tpu.memref_slice %arg5[%add3A_320, %dma_wait3A_321] : memref<128x8xi32, #tpu.memory_space<vmem>> -> memref<1x8xi32, #tpu.memory_space<vmem>>
      %dma_wait3A_323 = tpu.memref_squeeze %dma_wait3A_322 : memref<1x8xi32, #tpu.memory_space<vmem>> -> memref<8xi32, #tpu.memory_space<vmem>>
      %dma_wait3A_324 = arith.constant 0 : i32
      %dma_wait3A_325 = arith.constant 0 : i32
      %dma_wait3A_326 = tpu.memref_slice %arg2[%dma_wait3A_324, %dma_wait3A_325] : memref<8192x1024xf32, #tpu.memory_space<hbm>> -> memref<8192x1024xf32, #tpu.memory_space<hbm>>
      tpu.wait_indirect_dma semaphore(%arg20 : memref<!tpu.dma_semaphore, #tpu.memory_space<semaphore_mem>>) src(%dma_wait3A_326 : memref<8192x1024xf32, #tpu.memory_space<hbm>>) dst(%arg12 : memref<8x1024xf32, #tpu.memory_space<vmem>>)
      %add3A_327 = arith.constant 6 : i32
      %add3A_328 = arith.addi %mul3A_216, %add3A_327 : i32
      %mul3A_329 = arith.constant 8 : i32
      %mul3A_330 = arith.muli %add3A_328, %mul3A_329 : i32
      %add3A_331 = arith.addi %mul3A_2, %mul3A_330 : i32
      %dma_start3A_332 = arith.constant 0 : i32
      %dma_start3A_333 = tpu.memref_slice %arg4[%add3A_331, %dma_start3A_332] : memref<32768x1024xf32, #tpu.memory_space<hbm>> -> memref<8x1024xf32, #tpu.memory_space<hbm>>
      %dma_start3A_334 = arith.constant 0 : i32
      %dma_start3A_335 = tpu.memref_slice %arg4[%add3A_331, %dma_start3A_334] : memref<32768x1024xf32, #tpu.memory_space<hbm>> -> memref<8x1024xf32, #tpu.memory_space<hbm>>
      tpu.enqueue_dma source(%arg12 : memref<8x1024xf32, #tpu.memory_space<vmem>>) target(%dma_start3A_335 : memref<8x1024xf32, #tpu.memory_space<hbm>>) target_semaphore(%arg28 : memref<!tpu.dma_semaphore, #tpu.memory_space<semaphore_mem>>)
      %add3A_336 = arith.constant 7 : i32
      %add3A_337 = arith.addi %mul3A_216, %add3A_336 : i32
      %dma_wait3A_338 = arith.constant 0 : i32
      %dma_wait3A_339 = tpu.memref_slice %arg5[%add3A_337, %dma_wait3A_338] : memref<128x8xi32, #tpu.memory_space<vmem>> -> memref<1x8xi32, #tpu.memory_space<vmem>>
      %dma_wait3A_340 = tpu.memref_squeeze %dma_wait3A_339 : memref<1x8xi32, #tpu.memory_space<vmem>> -> memref<8xi32, #tpu.memory_space<vmem>>
      %dma_wait3A_341 = arith.constant 0 : i32
      %dma_wait3A_342 = arith.constant 0 : i32
      %dma_wait3A_343 = tpu.memref_slice %arg2[%dma_wait3A_341, %dma_wait3A_342] : memref<8192x1024xf32, #tpu.memory_space<hbm>> -> memref<8192x1024xf32, #tpu.memory_space<hbm>>
      tpu.wait_indirect_dma semaphore(%arg21 : memref<!tpu.dma_semaphore, #tpu.memory_space<semaphore_mem>>) src(%dma_wait3A_343 : memref<8192x1024xf32, #tpu.memory_space<hbm>>) dst(%arg13 : memref<8x1024xf32, #tpu.memory_space<vmem>>)
      %add3A_344 = arith.constant 7 : i32
      %add3A_345 = arith.addi %mul3A_216, %add3A_344 : i32
      %mul3A_346 = arith.constant 8 : i32
      %mul3A_347 = arith.muli %add3A_345, %mul3A_346 : i32
      %add3A_348 = arith.addi %mul3A_2, %mul3A_347 : i32
      %dma_start3A_349 = arith.constant 0 : i32
      %dma_start3A_350 = tpu.memref_slice %arg4[%add3A_348, %dma_start3A_349] : memref<32768x1024xf32, #tpu.memory_space<hbm>> -> memref<8x1024xf32, #tpu.memory_space<hbm>>
      %dma_start3A_351 = arith.constant 0 : i32
      %dma_start3A_352 = tpu.memref_slice %arg4[%add3A_348, %dma_start3A_351] : memref<32768x1024xf32, #tpu.memory_space<hbm>> -> memref<8x1024xf32, #tpu.memory_space<hbm>>
      tpu.enqueue_dma source(%arg13 : memref<8x1024xf32, #tpu.memory_space<vmem>>) target(%dma_start3A_352 : memref<8x1024xf32, #tpu.memory_space<hbm>>) target_semaphore(%arg29 : memref<!tpu.dma_semaphore, #tpu.memory_space<semaphore_mem>>)
      %add3A_353 = arith.constant 0 : i32
      %add3A_354 = arith.addi %mul3A_216, %add3A_353 : i32
      %mul3A_355 = arith.constant 8 : i32
      %mul3A_356 = arith.muli %add3A_354, %mul3A_355 : i32
      %add3A_357 = arith.addi %mul3A_2, %mul3A_356 : i32
      %dma_wait3A_358 = arith.constant 0 : i32
      %dma_wait3A_359 = tpu.memref_slice %arg4[%add3A_357, %dma_wait3A_358] : memref<32768x1024xf32, #tpu.memory_space<hbm>> -> memref<8x1024xf32, #tpu.memory_space<hbm>>
      %dma_wait3A_360 = arith.constant 0 : i32
      %dma_wait3A_361 = tpu.memref_slice %arg4[%add3A_357, %dma_wait3A_360] : memref<32768x1024xf32, #tpu.memory_space<hbm>> -> memref<8x1024xf32, #tpu.memory_space<hbm>>
      tpu.wait_dma2 semaphore(%arg22 : memref<!tpu.dma_semaphore, #tpu.memory_space<semaphore_mem>>) src(%arg6 : memref<8x1024xf32, #tpu.memory_space<vmem>>) dst(%dma_wait3A_361 : memref<8x1024xf32, #tpu.memory_space<hbm>>)
      %add3A_362 = arith.constant 0 : i32
      %add3A_363 = arith.addi %mul3A_216, %add3A_362 : i32
      %add3A_364 = arith.constant 8 : i32
      %add3A_365 = arith.addi %add3A_363, %add3A_364 : i32
      %dma_start3A_366 = arith.constant 0 : i32
      %dma_start3A_367 = tpu.memref_slice %arg5[%add3A_365, %dma_start3A_366] : memref<128x8xi32, #tpu.memory_space<vmem>> -> memref<1x8xi32, #tpu.memory_space<vmem>>
      %dma_start3A_368 = tpu.memref_squeeze %dma_start3A_367 : memref<1x8xi32, #tpu.memory_space<vmem>> -> memref<8xi32, #tpu.memory_space<vmem>>
      %dma_start3A_369 = arith.constant 0 : i32
      %dma_start3A_370 = arith.constant 0 : i32
      %dma_start3A_371 = tpu.memref_slice %arg2[%dma_start3A_369, %dma_start3A_370] : memref<8192x1024xf32, #tpu.memory_space<hbm>> -> memref<8192x1024xf32, #tpu.memory_space<hbm>>
      tpu.enqueue_indirect_dma source(%dma_start3A_371 : memref<8192x1024xf32, #tpu.memory_space<hbm>>) target(%arg6 : memref<8x1024xf32, #tpu.memory_space<vmem>>) offsets(%dma_start3A_368 : memref<8xi32, #tpu.memory_space<vmem>>) semaphore(%arg14 : memref<!tpu.dma_semaphore, #tpu.memory_space<semaphore_mem>>)
      %add3A_372 = arith.constant 1 : i32
      %add3A_373 = arith.addi %mul3A_216, %add3A_372 : i32
      %mul3A_374 = arith.constant 8 : i32
      %mul3A_375 = arith.muli %add3A_373, %mul3A_374 : i32
      %add3A_376 = arith.addi %mul3A_2, %mul3A_375 : i32
      %dma_wait3A_377 = arith.constant 0 : i32
      %dma_wait3A_378 = tpu.memref_slice %arg4[%add3A_376, %dma_wait3A_377] : memref<32768x1024xf32, #tpu.memory_space<hbm>> -> memref<8x1024xf32, #tpu.memory_space<hbm>>
      %dma_wait3A_379 = arith.constant 0 : i32
      %dma_wait3A_380 = tpu.memref_slice %arg4[%add3A_376, %dma_wait3A_379] : memref<32768x1024xf32, #tpu.memory_space<hbm>> -> memref<8x1024xf32, #tpu.memory_space<hbm>>
      tpu.wait_dma2 semaphore(%arg23 : memref<!tpu.dma_semaphore, #tpu.memory_space<semaphore_mem>>) src(%arg7 : memref<8x1024xf32, #tpu.memory_space<vmem>>) dst(%dma_wait3A_380 : memref<8x1024xf32, #tpu.memory_space<hbm>>)
      %add3A_381 = arith.constant 1 : i32
      %add3A_382 = arith.addi %mul3A_216, %add3A_381 : i32
      %add3A_383 = arith.constant 8 : i32
      %add3A_384 = arith.addi %add3A_382, %add3A_383 : i32
      %dma_start3A_385 = arith.constant 0 : i32
      %dma_start3A_386 = tpu.memref_slice %arg5[%add3A_384, %dma_start3A_385] : memref<128x8xi32, #tpu.memory_space<vmem>> -> memref<1x8xi32, #tpu.memory_space<vmem>>
      %dma_start3A_387 = tpu.memref_squeeze %dma_start3A_386 : memref<1x8xi32, #tpu.memory_space<vmem>> -> memref<8xi32, #tpu.memory_space<vmem>>
      %dma_start3A_388 = arith.constant 0 : i32
      %dma_start3A_389 = arith.constant 0 : i32
      %dma_start3A_390 = tpu.memref_slice %arg2[%dma_start3A_388, %dma_start3A_389] : memref<8192x1024xf32, #tpu.memory_space<hbm>> -> memref<8192x1024xf32, #tpu.memory_space<hbm>>
      tpu.enqueue_indirect_dma source(%dma_start3A_390 : memref<8192x1024xf32, #tpu.memory_space<hbm>>) target(%arg7 : memref<8x1024xf32, #tpu.memory_space<vmem>>) offsets(%dma_start3A_387 : memref<8xi32, #tpu.memory_space<vmem>>) semaphore(%arg15 : memref<!tpu.dma_semaphore, #tpu.memory_space<semaphore_mem>>)
      %add3A_391 = arith.constant 2 : i32
      %add3A_392 = arith.addi %mul3A_216, %add3A_391 : i32
      %mul3A_393 = arith.constant 8 : i32
      %mul3A_394 = arith.muli %add3A_392, %mul3A_393 : i32
      %add3A_395 = arith.addi %mul3A_2, %mul3A_394 : i32
      %dma_wait3A_396 = arith.constant 0 : i32
      %dma_wait3A_397 = tpu.memref_slice %arg4[%add3A_395, %dma_wait3A_396] : memref<32768x1024xf32, #tpu.memory_space<hbm>> -> memref<8x1024xf32, #tpu.memory_space<hbm>>
      %dma_wait3A_398 = arith.constant 0 : i32
      %dma_wait3A_399 = tpu.memref_slice %arg4[%add3A_395, %dma_wait3A_398] : memref<32768x1024xf32, #tpu.memory_space<hbm>> -> memref<8x1024xf32, #tpu.memory_space<hbm>>
      tpu.wait_dma2 semaphore(%arg24 : memref<!tpu.dma_semaphore, #tpu.memory_space<semaphore_mem>>) src(%arg8 : memref<8x1024xf32, #tpu.memory_space<vmem>>) dst(%dma_wait3A_399 : memref<8x1024xf32, #tpu.memory_space<hbm>>)
      %add3A_400 = arith.constant 2 : i32
      %add3A_401 = arith.addi %mul3A_216, %add3A_400 : i32
      %add3A_402 = arith.constant 8 : i32
      %add3A_403 = arith.addi %add3A_401, %add3A_402 : i32
      %dma_start3A_404 = arith.constant 0 : i32
      %dma_start3A_405 = tpu.memref_slice %arg5[%add3A_403, %dma_start3A_404] : memref<128x8xi32, #tpu.memory_space<vmem>> -> memref<1x8xi32, #tpu.memory_space<vmem>>
      %dma_start3A_406 = tpu.memref_squeeze %dma_start3A_405 : memref<1x8xi32, #tpu.memory_space<vmem>> -> memref<8xi32, #tpu.memory_space<vmem>>
      %dma_start3A_407 = arith.constant 0 : i32
      %dma_start3A_408 = arith.constant 0 : i32
      %dma_start3A_409 = tpu.memref_slice %arg2[%dma_start3A_407, %dma_start3A_408] : memref<8192x1024xf32, #tpu.memory_space<hbm>> -> memref<8192x1024xf32, #tpu.memory_space<hbm>>
      tpu.enqueue_indirect_dma source(%dma_start3A_409 : memref<8192x1024xf32, #tpu.memory_space<hbm>>) target(%arg8 : memref<8x1024xf32, #tpu.memory_space<vmem>>) offsets(%dma_start3A_406 : memref<8xi32, #tpu.memory_space<vmem>>) semaphore(%arg16 : memref<!tpu.dma_semaphore, #tpu.memory_space<semaphore_mem>>)
      %add3A_410 = arith.constant 3 : i32
      %add3A_411 = arith.addi %mul3A_216, %add3A_410 : i32
      %mul3A_412 = arith.constant 8 : i32
      %mul3A_413 = arith.muli %add3A_411, %mul3A_412 : i32
      %add3A_414 = arith.addi %mul3A_2, %mul3A_413 : i32
      %dma_wait3A_415 = arith.constant 0 : i32
      %dma_wait3A_416 = tpu.memref_slice %arg4[%add3A_414, %dma_wait3A_415] : memref<32768x1024xf32, #tpu.memory_space<hbm>> -> memref<8x1024xf32, #tpu.memory_space<hbm>>
      %dma_wait3A_417 = arith.constant 0 : i32
      %dma_wait3A_418 = tpu.memref_slice %arg4[%add3A_414, %dma_wait3A_417] : memref<32768x1024xf32, #tpu.memory_space<hbm>> -> memref<8x1024xf32, #tpu.memory_space<hbm>>
      tpu.wait_dma2 semaphore(%arg25 : memref<!tpu.dma_semaphore, #tpu.memory_space<semaphore_mem>>) src(%arg9 : memref<8x1024xf32, #tpu.memory_space<vmem>>) dst(%dma_wait3A_418 : memref<8x1024xf32, #tpu.memory_space<hbm>>)
      %add3A_419 = arith.constant 3 : i32
      %add3A_420 = arith.addi %mul3A_216, %add3A_419 : i32
      %add3A_421 = arith.constant 8 : i32
      %add3A_422 = arith.addi %add3A_420, %add3A_421 : i32
      %dma_start3A_423 = arith.constant 0 : i32
      %dma_start3A_424 = tpu.memref_slice %arg5[%add3A_422, %dma_start3A_423] : memref<128x8xi32, #tpu.memory_space<vmem>> -> memref<1x8xi32, #tpu.memory_space<vmem>>
      %dma_start3A_425 = tpu.memref_squeeze %dma_start3A_424 : memref<1x8xi32, #tpu.memory_space<vmem>> -> memref<8xi32, #tpu.memory_space<vmem>>
      %dma_start3A_426 = arith.constant 0 : i32
      %dma_start3A_427 = arith.constant 0 : i32
      %dma_start3A_428 = tpu.memref_slice %arg2[%dma_start3A_426, %dma_start3A_427] : memref<8192x1024xf32, #tpu.memory_space<hbm>> -> memref<8192x1024xf32, #tpu.memory_space<hbm>>
      tpu.enqueue_indirect_dma source(%dma_start3A_428 : memref<8192x1024xf32, #tpu.memory_space<hbm>>) target(%arg9 : memref<8x1024xf32, #tpu.memory_space<vmem>>) offsets(%dma_start3A_425 : memref<8xi32, #tpu.memory_space<vmem>>) semaphore(%arg17 : memref<!tpu.dma_semaphore, #tpu.memory_space<semaphore_mem>>)
      %add3A_429 = arith.constant 4 : i32
      %add3A_430 = arith.addi %mul3A_216, %add3A_429 : i32
      %mul3A_431 = arith.constant 8 : i32
      %mul3A_432 = arith.muli %add3A_430, %mul3A_431 : i32
      %add3A_433 = arith.addi %mul3A_2, %mul3A_432 : i32
      %dma_wait3A_434 = arith.constant 0 : i32
      %dma_wait3A_435 = tpu.memref_slice %arg4[%add3A_433, %dma_wait3A_434] : memref<32768x1024xf32, #tpu.memory_space<hbm>> -> memref<8x1024xf32, #tpu.memory_space<hbm>>
      %dma_wait3A_436 = arith.constant 0 : i32
      %dma_wait3A_437 = tpu.memref_slice %arg4[%add3A_433, %dma_wait3A_436] : memref<32768x1024xf32, #tpu.memory_space<hbm>> -> memref<8x1024xf32, #tpu.memory_space<hbm>>
      tpu.wait_dma2 semaphore(%arg26 : memref<!tpu.dma_semaphore, #tpu.memory_space<semaphore_mem>>) src(%arg10 : memref<8x1024xf32, #tpu.memory_space<vmem>>) dst(%dma_wait3A_437 : memref<8x1024xf32, #tpu.memory_space<hbm>>)
      %add3A_438 = arith.constant 4 : i32
      %add3A_439 = arith.addi %mul3A_216, %add3A_438 : i32
      %add3A_440 = arith.constant 8 : i32
      %add3A_441 = arith.addi %add3A_439, %add3A_440 : i32
      %dma_start3A_442 = arith.constant 0 : i32
      %dma_start3A_443 = tpu.memref_slice %arg5[%add3A_441, %dma_start3A_442] : memref<128x8xi32, #tpu.memory_space<vmem>> -> memref<1x8xi32, #tpu.memory_space<vmem>>
      %dma_start3A_444 = tpu.memref_squeeze %dma_start3A_443 : memref<1x8xi32, #tpu.memory_space<vmem>> -> memref<8xi32, #tpu.memory_space<vmem>>
      %dma_start3A_445 = arith.constant 0 : i32
      %dma_start3A_446 = arith.constant 0 : i32
      %dma_start3A_447 = tpu.memref_slice %arg2[%dma_start3A_445, %dma_start3A_446] : memref<8192x1024xf32, #tpu.memory_space<hbm>> -> memref<8192x1024xf32, #tpu.memory_space<hbm>>
      tpu.enqueue_indirect_dma source(%dma_start3A_447 : memref<8192x1024xf32, #tpu.memory_space<hbm>>) target(%arg10 : memref<8x1024xf32, #tpu.memory_space<vmem>>) offsets(%dma_start3A_444 : memref<8xi32, #tpu.memory_space<vmem>>) semaphore(%arg18 : memref<!tpu.dma_semaphore, #tpu.memory_space<semaphore_mem>>)
      %add3A_448 = arith.constant 5 : i32
      %add3A_449 = arith.addi %mul3A_216, %add3A_448 : i32
      %mul3A_450 = arith.constant 8 : i32
      %mul3A_451 = arith.muli %add3A_449, %mul3A_450 : i32
      %add3A_452 = arith.addi %mul3A_2, %mul3A_451 : i32
      %dma_wait3A_453 = arith.constant 0 : i32
      %dma_wait3A_454 = tpu.memref_slice %arg4[%add3A_452, %dma_wait3A_453] : memref<32768x1024xf32, #tpu.memory_space<hbm>> -> memref<8x1024xf32, #tpu.memory_space<hbm>>
      %dma_wait3A_455 = arith.constant 0 : i32
      %dma_wait3A_456 = tpu.memref_slice %arg4[%add3A_452, %dma_wait3A_455] : memref<32768x1024xf32, #tpu.memory_space<hbm>> -> memref<8x1024xf32, #tpu.memory_space<hbm>>
      tpu.wait_dma2 semaphore(%arg27 : memref<!tpu.dma_semaphore, #tpu.memory_space<semaphore_mem>>) src(%arg11 : memref<8x1024xf32, #tpu.memory_space<vmem>>) dst(%dma_wait3A_456 : memref<8x1024xf32, #tpu.memory_space<hbm>>)
      %add3A_457 = arith.constant 5 : i32
      %add3A_458 = arith.addi %mul3A_216, %add3A_457 : i32
      %add3A_459 = arith.constant 8 : i32
      %add3A_460 = arith.addi %add3A_458, %add3A_459 : i32
      %dma_start3A_461 = arith.constant 0 : i32
      %dma_start3A_462 = tpu.memref_slice %arg5[%add3A_460, %dma_start3A_461] : memref<128x8xi32, #tpu.memory_space<vmem>> -> memref<1x8xi32, #tpu.memory_space<vmem>>
      %dma_start3A_463 = tpu.memref_squeeze %dma_start3A_462 : memref<1x8xi32, #tpu.memory_space<vmem>> -> memref<8xi32, #tpu.memory_space<vmem>>
      %dma_start3A_464 = arith.constant 0 : i32
      %dma_start3A_465 = arith.constant 0 : i32
      %dma_start3A_466 = tpu.memref_slice %arg2[%dma_start3A_464, %dma_start3A_465] : memref<8192x1024xf32, #tpu.memory_space<hbm>> -> memref<8192x1024xf32, #tpu.memory_space<hbm>>
      tpu.enqueue_indirect_dma source(%dma_start3A_466 : memref<8192x1024xf32, #tpu.memory_space<hbm>>) target(%arg11 : memref<8x1024xf32, #tpu.memory_space<vmem>>) offsets(%dma_start3A_463 : memref<8xi32, #tpu.memory_space<vmem>>) semaphore(%arg19 : memref<!tpu.dma_semaphore, #tpu.memory_space<semaphore_mem>>)
      %add3A_467 = arith.constant 6 : i32
      %add3A_468 = arith.addi %mul3A_216, %add3A_467 : i32
      %mul3A_469 = arith.constant 8 : i32
      %mul3A_470 = arith.muli %add3A_468, %mul3A_469 : i32
      %add3A_471 = arith.addi %mul3A_2, %mul3A_470 : i32
      %dma_wait3A_472 = arith.constant 0 : i32
      %dma_wait3A_473 = tpu.memref_slice %arg4[%add3A_471, %dma_wait3A_472] : memref<32768x1024xf32, #tpu.memory_space<hbm>> -> memref<8x1024xf32, #tpu.memory_space<hbm>>
      %dma_wait3A_474 = arith.constant 0 : i32
      %dma_wait3A_475 = tpu.memref_slice %arg4[%add3A_471, %dma_wait3A_474] : memref<32768x1024xf32, #tpu.memory_space<hbm>> -> memref<8x1024xf32, #tpu.memory_space<hbm>>
      tpu.wait_dma2 semaphore(%arg28 : memref<!tpu.dma_semaphore, #tpu.memory_space<semaphore_mem>>) src(%arg12 : memref<8x1024xf32, #tpu.memory_space<vmem>>) dst(%dma_wait3A_475 : memref<8x1024xf32, #tpu.memory_space<hbm>>)
      %add3A_476 = arith.constant 6 : i32
      %add3A_477 = arith.addi %mul3A_216, %add3A_476 : i32
      %add3A_478 = arith.constant 8 : i32
      %add3A_479 = arith.addi %add3A_477, %add3A_478 : i32
      %dma_start3A_480 = arith.constant 0 : i32
      %dma_start3A_481 = tpu.memref_slice %arg5[%add3A_479, %dma_start3A_480] : memref<128x8xi32, #tpu.memory_space<vmem>> -> memref<1x8xi32, #tpu.memory_space<vmem>>
      %dma_start3A_482 = tpu.memref_squeeze %dma_start3A_481 : memref<1x8xi32, #tpu.memory_space<vmem>> -> memref<8xi32, #tpu.memory_space<vmem>>
      %dma_start3A_483 = arith.constant 0 : i32
      %dma_start3A_484 = arith.constant 0 : i32
      %dma_start3A_485 = tpu.memref_slice %arg2[%dma_start3A_483, %dma_start3A_484] : memref<8192x1024xf32, #tpu.memory_space<hbm>> -> memref<8192x1024xf32, #tpu.memory_space<hbm>>
      tpu.enqueue_indirect_dma source(%dma_start3A_485 : memref<8192x1024xf32, #tpu.memory_space<hbm>>) target(%arg12 : memref<8x1024xf32, #tpu.memory_space<vmem>>) offsets(%dma_start3A_482 : memref<8xi32, #tpu.memory_space<vmem>>) semaphore(%arg20 : memref<!tpu.dma_semaphore, #tpu.memory_space<semaphore_mem>>)
      %add3A_486 = arith.constant 7 : i32
      %add3A_487 = arith.addi %mul3A_216, %add3A_486 : i32
      %mul3A_488 = arith.constant 8 : i32
      %mul3A_489 = arith.muli %add3A_487, %mul3A_488 : i32
      %add3A_490 = arith.addi %mul3A_2, %mul3A_489 : i32
      %dma_wait3A_491 = arith.constant 0 : i32
      %dma_wait3A_492 = tpu.memref_slice %arg4[%add3A_490, %dma_wait3A_491] : memref<32768x1024xf32, #tpu.memory_space<hbm>> -> memref<8x1024xf32, #tpu.memory_space<hbm>>
      %dma_wait3A_493 = arith.constant 0 : i32
      %dma_wait3A_494 = tpu.memref_slice %arg4[%add3A_490, %dma_wait3A_493] : memref<32768x1024xf32, #tpu.memory_space<hbm>> -> memref<8x1024xf32, #tpu.memory_space<hbm>>
      tpu.wait_dma2 semaphore(%arg29 : memref<!tpu.dma_semaphore, #tpu.memory_space<semaphore_mem>>) src(%arg13 : memref<8x1024xf32, #tpu.memory_space<vmem>>) dst(%dma_wait3A_494 : memref<8x1024xf32, #tpu.memory_space<hbm>>)
      %add3A_495 = arith.constant 7 : i32
      %add3A_496 = arith.addi %mul3A_216, %add3A_495 : i32
      %add3A_497 = arith.constant 8 : i32
      %add3A_498 = arith.addi %add3A_496, %add3A_497 : i32
      %dma_start3A_499 = arith.constant 0 : i32
      %dma_start3A_500 = tpu.memref_slice %arg5[%add3A_498, %dma_start3A_499] : memref<128x8xi32, #tpu.memory_space<vmem>> -> memref<1x8xi32, #tpu.memory_space<vmem>>
      %dma_start3A_501 = tpu.memref_squeeze %dma_start3A_500 : memref<1x8xi32, #tpu.memory_space<vmem>> -> memref<8xi32, #tpu.memory_space<vmem>>
      %dma_start3A_502 = arith.constant 0 : i32
      %dma_start3A_503 = arith.constant 0 : i32
      %dma_start3A_504 = tpu.memref_slice %arg2[%dma_start3A_502, %dma_start3A_503] : memref<8192x1024xf32, #tpu.memory_space<hbm>> -> memref<8192x1024xf32, #tpu.memory_space<hbm>>
      tpu.enqueue_indirect_dma source(%dma_start3A_504 : memref<8192x1024xf32, #tpu.memory_space<hbm>>) target(%arg13 : memref<8x1024xf32, #tpu.memory_space<vmem>>) offsets(%dma_start3A_501 : memref<8xi32, #tpu.memory_space<vmem>>) semaphore(%arg21 : memref<!tpu.dma_semaphore, #tpu.memory_space<semaphore_mem>>)
    }
    %scan3A_62 = arith.constant 15 : i32
    %dma_wait3A = arith.constant 120 : i32
    %dma_wait3A_63 = arith.constant 0 : i32
    %dma_wait3A_64 = tpu.memref_slice %arg5[%dma_wait3A, %dma_wait3A_63] : memref<128x8xi32, #tpu.memory_space<vmem>> -> memref<1x8xi32, #tpu.memory_space<vmem>>
    %dma_wait3A_65 = tpu.memref_squeeze %dma_wait3A_64 : memref<1x8xi32, #tpu.memory_space<vmem>> -> memref<8xi32, #tpu.memory_space<vmem>>
    %dma_wait3A_66 = arith.constant 0 : i32
    %dma_wait3A_67 = arith.constant 0 : i32
    %dma_wait3A_68 = tpu.memref_slice %arg2[%dma_wait3A_66, %dma_wait3A_67] : memref<8192x1024xf32, #tpu.memory_space<hbm>> -> memref<8192x1024xf32, #tpu.memory_space<hbm>>
    tpu.wait_indirect_dma semaphore(%arg14 : memref<!tpu.dma_semaphore, #tpu.memory_space<semaphore_mem>>) src(%dma_wait3A_68 : memref<8192x1024xf32, #tpu.memory_space<hbm>>) dst(%arg6 : memref<8x1024xf32, #tpu.memory_space<vmem>>)
    %add3A_69 = arith.constant 960 : i32
    %add3A_70 = arith.addi %mul3A_2, %add3A_69 : i32
    %dma_start3A_71 = arith.constant 0 : i32
    %dma_start3A_72 = tpu.memref_slice %arg4[%add3A_70, %dma_start3A_71] : memref<32768x1024xf32, #tpu.memory_space<hbm>> -> memref<8x1024xf32, #tpu.memory_space<hbm>>
    %dma_start3A_73 = arith.constant 0 : i32
    %dma_start3A_74 = tpu.memref_slice %arg4[%add3A_70, %dma_start3A_73] : memref<32768x1024xf32, #tpu.memory_space<hbm>> -> memref<8x1024xf32, #tpu.memory_space<hbm>>
    tpu.enqueue_dma source(%arg6 : memref<8x1024xf32, #tpu.memory_space<vmem>>) target(%dma_start3A_74 : memref<8x1024xf32, #tpu.memory_space<hbm>>) target_semaphore(%arg22 : memref<!tpu.dma_semaphore, #tpu.memory_space<semaphore_mem>>)
    %dma_wait3A_75 = arith.constant 121 : i32
    %dma_wait3A_76 = arith.constant 0 : i32
    %dma_wait3A_77 = tpu.memref_slice %arg5[%dma_wait3A_75, %dma_wait3A_76] : memref<128x8xi32, #tpu.memory_space<vmem>> -> memref<1x8xi32, #tpu.memory_space<vmem>>
    %dma_wait3A_78 = tpu.memref_squeeze %dma_wait3A_77 : memref<1x8xi32, #tpu.memory_space<vmem>> -> memref<8xi32, #tpu.memory_space<vmem>>
    %dma_wait3A_79 = arith.constant 0 : i32
    %dma_wait3A_80 = arith.constant 0 : i32
    %dma_wait3A_81 = tpu.memref_slice %arg2[%dma_wait3A_79, %dma_wait3A_80] : memref<8192x1024xf32, #tpu.memory_space<hbm>> -> memref<8192x1024xf32, #tpu.memory_space<hbm>>
    tpu.wait_indirect_dma semaphore(%arg15 : memref<!tpu.dma_semaphore, #tpu.memory_space<semaphore_mem>>) src(%dma_wait3A_81 : memref<8192x1024xf32, #tpu.memory_space<hbm>>) dst(%arg7 : memref<8x1024xf32, #tpu.memory_space<vmem>>)
    %add3A_82 = arith.constant 968 : i32
    %add3A_83 = arith.addi %mul3A_2, %add3A_82 : i32
    %dma_start3A_84 = arith.constant 0 : i32
    %dma_start3A_85 = tpu.memref_slice %arg4[%add3A_83, %dma_start3A_84] : memref<32768x1024xf32, #tpu.memory_space<hbm>> -> memref<8x1024xf32, #tpu.memory_space<hbm>>
    %dma_start3A_86 = arith.constant 0 : i32
    %dma_start3A_87 = tpu.memref_slice %arg4[%add3A_83, %dma_start3A_86] : memref<32768x1024xf32, #tpu.memory_space<hbm>> -> memref<8x1024xf32, #tpu.memory_space<hbm>>
    tpu.enqueue_dma source(%arg7 : memref<8x1024xf32, #tpu.memory_space<vmem>>) target(%dma_start3A_87 : memref<8x1024xf32, #tpu.memory_space<hbm>>) target_semaphore(%arg23 : memref<!tpu.dma_semaphore, #tpu.memory_space<semaphore_mem>>)
    %dma_wait3A_88 = arith.constant 122 : i32
    %dma_wait3A_89 = arith.constant 0 : i32
    %dma_wait3A_90 = tpu.memref_slice %arg5[%dma_wait3A_88, %dma_wait3A_89] : memref<128x8xi32, #tpu.memory_space<vmem>> -> memref<1x8xi32, #tpu.memory_space<vmem>>
    %dma_wait3A_91 = tpu.memref_squeeze %dma_wait3A_90 : memref<1x8xi32, #tpu.memory_space<vmem>> -> memref<8xi32, #tpu.memory_space<vmem>>
    %dma_wait3A_92 = arith.constant 0 : i32
    %dma_wait3A_93 = arith.constant 0 : i32
    %dma_wait3A_94 = tpu.memref_slice %arg2[%dma_wait3A_92, %dma_wait3A_93] : memref<8192x1024xf32, #tpu.memory_space<hbm>> -> memref<8192x1024xf32, #tpu.memory_space<hbm>>
    tpu.wait_indirect_dma semaphore(%arg16 : memref<!tpu.dma_semaphore, #tpu.memory_space<semaphore_mem>>) src(%dma_wait3A_94 : memref<8192x1024xf32, #tpu.memory_space<hbm>>) dst(%arg8 : memref<8x1024xf32, #tpu.memory_space<vmem>>)
    %add3A_95 = arith.constant 976 : i32
    %add3A_96 = arith.addi %mul3A_2, %add3A_95 : i32
    %dma_start3A_97 = arith.constant 0 : i32
    %dma_start3A_98 = tpu.memref_slice %arg4[%add3A_96, %dma_start3A_97] : memref<32768x1024xf32, #tpu.memory_space<hbm>> -> memref<8x1024xf32, #tpu.memory_space<hbm>>
    %dma_start3A_99 = arith.constant 0 : i32
    %dma_start3A_100 = tpu.memref_slice %arg4[%add3A_96, %dma_start3A_99] : memref<32768x1024xf32, #tpu.memory_space<hbm>> -> memref<8x1024xf32, #tpu.memory_space<hbm>>
    tpu.enqueue_dma source(%arg8 : memref<8x1024xf32, #tpu.memory_space<vmem>>) target(%dma_start3A_100 : memref<8x1024xf32, #tpu.memory_space<hbm>>) target_semaphore(%arg24 : memref<!tpu.dma_semaphore, #tpu.memory_space<semaphore_mem>>)
    %dma_wait3A_101 = arith.constant 123 : i32
    %dma_wait3A_102 = arith.constant 0 : i32
    %dma_wait3A_103 = tpu.memref_slice %arg5[%dma_wait3A_101, %dma_wait3A_102] : memref<128x8xi32, #tpu.memory_space<vmem>> -> memref<1x8xi32, #tpu.memory_space<vmem>>
    %dma_wait3A_104 = tpu.memref_squeeze %dma_wait3A_103 : memref<1x8xi32, #tpu.memory_space<vmem>> -> memref<8xi32, #tpu.memory_space<vmem>>
    %dma_wait3A_105 = arith.constant 0 : i32
    %dma_wait3A_106 = arith.constant 0 : i32
    %dma_wait3A_107 = tpu.memref_slice %arg2[%dma_wait3A_105, %dma_wait3A_106] : memref<8192x1024xf32, #tpu.memory_space<hbm>> -> memref<8192x1024xf32, #tpu.memory_space<hbm>>
    tpu.wait_indirect_dma semaphore(%arg17 : memref<!tpu.dma_semaphore, #tpu.memory_space<semaphore_mem>>) src(%dma_wait3A_107 : memref<8192x1024xf32, #tpu.memory_space<hbm>>) dst(%arg9 : memref<8x1024xf32, #tpu.memory_space<vmem>>)
    %add3A_108 = arith.constant 984 : i32
    %add3A_109 = arith.addi %mul3A_2, %add3A_108 : i32
    %dma_start3A_110 = arith.constant 0 : i32
    %dma_start3A_111 = tpu.memref_slice %arg4[%add3A_109, %dma_start3A_110] : memref<32768x1024xf32, #tpu.memory_space<hbm>> -> memref<8x1024xf32, #tpu.memory_space<hbm>>
    %dma_start3A_112 = arith.constant 0 : i32
    %dma_start3A_113 = tpu.memref_slice %arg4[%add3A_109, %dma_start3A_112] : memref<32768x1024xf32, #tpu.memory_space<hbm>> -> memref<8x1024xf32, #tpu.memory_space<hbm>>
    tpu.enqueue_dma source(%arg9 : memref<8x1024xf32, #tpu.memory_space<vmem>>) target(%dma_start3A_113 : memref<8x1024xf32, #tpu.memory_space<hbm>>) target_semaphore(%arg25 : memref<!tpu.dma_semaphore, #tpu.memory_space<semaphore_mem>>)
    %dma_wait3A_114 = arith.constant 124 : i32
    %dma_wait3A_115 = arith.constant 0 : i32
    %dma_wait3A_116 = tpu.memref_slice %arg5[%dma_wait3A_114, %dma_wait3A_115] : memref<128x8xi32, #tpu.memory_space<vmem>> -> memref<1x8xi32, #tpu.memory_space<vmem>>
    %dma_wait3A_117 = tpu.memref_squeeze %dma_wait3A_116 : memref<1x8xi32, #tpu.memory_space<vmem>> -> memref<8xi32, #tpu.memory_space<vmem>>
    %dma_wait3A_118 = arith.constant 0 : i32
    %dma_wait3A_119 = arith.constant 0 : i32
    %dma_wait3A_120 = tpu.memref_slice %arg2[%dma_wait3A_118, %dma_wait3A_119] : memref<8192x1024xf32, #tpu.memory_space<hbm>> -> memref<8192x1024xf32, #tpu.memory_space<hbm>>
    tpu.wait_indirect_dma semaphore(%arg18 : memref<!tpu.dma_semaphore, #tpu.memory_space<semaphore_mem>>) src(%dma_wait3A_120 : memref<8192x1024xf32, #tpu.memory_space<hbm>>) dst(%arg10 : memref<8x1024xf32, #tpu.memory_space<vmem>>)
    %add3A_121 = arith.constant 992 : i32
    %add3A_122 = arith.addi %mul3A_2, %add3A_121 : i32
    %dma_start3A_123 = arith.constant 0 : i32
    %dma_start3A_124 = tpu.memref_slice %arg4[%add3A_122, %dma_start3A_123] : memref<32768x1024xf32, #tpu.memory_space<hbm>> -> memref<8x1024xf32, #tpu.memory_space<hbm>>
    %dma_start3A_125 = arith.constant 0 : i32
    %dma_start3A_126 = tpu.memref_slice %arg4[%add3A_122, %dma_start3A_125] : memref<32768x1024xf32, #tpu.memory_space<hbm>> -> memref<8x1024xf32, #tpu.memory_space<hbm>>
    tpu.enqueue_dma source(%arg10 : memref<8x1024xf32, #tpu.memory_space<vmem>>) target(%dma_start3A_126 : memref<8x1024xf32, #tpu.memory_space<hbm>>) target_semaphore(%arg26 : memref<!tpu.dma_semaphore, #tpu.memory_space<semaphore_mem>>)
    %dma_wait3A_127 = arith.constant 125 : i32
    %dma_wait3A_128 = arith.constant 0 : i32
    %dma_wait3A_129 = tpu.memref_slice %arg5[%dma_wait3A_127, %dma_wait3A_128] : memref<128x8xi32, #tpu.memory_space<vmem>> -> memref<1x8xi32, #tpu.memory_space<vmem>>
    %dma_wait3A_130 = tpu.memref_squeeze %dma_wait3A_129 : memref<1x8xi32, #tpu.memory_space<vmem>> -> memref<8xi32, #tpu.memory_space<vmem>>
    %dma_wait3A_131 = arith.constant 0 : i32
    %dma_wait3A_132 = arith.constant 0 : i32
    %dma_wait3A_133 = tpu.memref_slice %arg2[%dma_wait3A_131, %dma_wait3A_132] : memref<8192x1024xf32, #tpu.memory_space<hbm>> -> memref<8192x1024xf32, #tpu.memory_space<hbm>>
    tpu.wait_indirect_dma semaphore(%arg19 : memref<!tpu.dma_semaphore, #tpu.memory_space<semaphore_mem>>) src(%dma_wait3A_133 : memref<8192x1024xf32, #tpu.memory_space<hbm>>) dst(%arg11 : memref<8x1024xf32, #tpu.memory_space<vmem>>)
    %add3A_134 = arith.constant 1000 : i32
    %add3A_135 = arith.addi %mul3A_2, %add3A_134 : i32
    %dma_start3A_136 = arith.constant 0 : i32
    %dma_start3A_137 = tpu.memref_slice %arg4[%add3A_135, %dma_start3A_136] : memref<32768x1024xf32, #tpu.memory_space<hbm>> -> memref<8x1024xf32, #tpu.memory_space<hbm>>
    %dma_start3A_138 = arith.constant 0 : i32
    %dma_start3A_139 = tpu.memref_slice %arg4[%add3A_135, %dma_start3A_138] : memref<32768x1024xf32, #tpu.memory_space<hbm>> -> memref<8x1024xf32, #tpu.memory_space<hbm>>
    tpu.enqueue_dma source(%arg11 : memref<8x1024xf32, #tpu.memory_space<vmem>>) target(%dma_start3A_139 : memref<8x1024xf32, #tpu.memory_space<hbm>>) target_semaphore(%arg27 : memref<!tpu.dma_semaphore, #tpu.memory_space<semaphore_mem>>)
    %dma_wait3A_140 = arith.constant 126 : i32
    %dma_wait3A_141 = arith.constant 0 : i32
    %dma_wait3A_142 = tpu.memref_slice %arg5[%dma_wait3A_140, %dma_wait3A_141] : memref<128x8xi32, #tpu.memory_space<vmem>> -> memref<1x8xi32, #tpu.memory_space<vmem>>
    %dma_wait3A_143 = tpu.memref_squeeze %dma_wait3A_142 : memref<1x8xi32, #tpu.memory_space<vmem>> -> memref<8xi32, #tpu.memory_space<vmem>>
    %dma_wait3A_144 = arith.constant 0 : i32
    %dma_wait3A_145 = arith.constant 0 : i32
    %dma_wait3A_146 = tpu.memref_slice %arg2[%dma_wait3A_144, %dma_wait3A_145] : memref<8192x1024xf32, #tpu.memory_space<hbm>> -> memref<8192x1024xf32, #tpu.memory_space<hbm>>
    tpu.wait_indirect_dma semaphore(%arg20 : memref<!tpu.dma_semaphore, #tpu.memory_space<semaphore_mem>>) src(%dma_wait3A_146 : memref<8192x1024xf32, #tpu.memory_space<hbm>>) dst(%arg12 : memref<8x1024xf32, #tpu.memory_space<vmem>>)
    %add3A_147 = arith.constant 1008 : i32
    %add3A_148 = arith.addi %mul3A_2, %add3A_147 : i32
    %dma_start3A_149 = arith.constant 0 : i32
    %dma_start3A_150 = tpu.memref_slice %arg4[%add3A_148, %dma_start3A_149] : memref<32768x1024xf32, #tpu.memory_space<hbm>> -> memref<8x1024xf32, #tpu.memory_space<hbm>>
    %dma_start3A_151 = arith.constant 0 : i32
    %dma_start3A_152 = tpu.memref_slice %arg4[%add3A_148, %dma_start3A_151] : memref<32768x1024xf32, #tpu.memory_space<hbm>> -> memref<8x1024xf32, #tpu.memory_space<hbm>>
    tpu.enqueue_dma source(%arg12 : memref<8x1024xf32, #tpu.memory_space<vmem>>) target(%dma_start3A_152 : memref<8x1024xf32, #tpu.memory_space<hbm>>) target_semaphore(%arg28 : memref<!tpu.dma_semaphore, #tpu.memory_space<semaphore_mem>>)
    %dma_wait3A_153 = arith.constant 127 : i32
    %dma_wait3A_154 = arith.constant 0 : i32
    %dma_wait3A_155 = tpu.memref_slice %arg5[%dma_wait3A_153, %dma_wait3A_154] : memref<128x8xi32, #tpu.memory_space<vmem>> -> memref<1x8xi32, #tpu.memory_space<vmem>>
    %dma_wait3A_156 = tpu.memref_squeeze %dma_wait3A_155 : memref<1x8xi32, #tpu.memory_space<vmem>> -> memref<8xi32, #tpu.memory_space<vmem>>
    %dma_wait3A_157 = arith.constant 0 : i32
    %dma_wait3A_158 = arith.constant 0 : i32
    %dma_wait3A_159 = tpu.memref_slice %arg2[%dma_wait3A_157, %dma_wait3A_158] : memref<8192x1024xf32, #tpu.memory_space<hbm>> -> memref<8192x1024xf32, #tpu.memory_space<hbm>>
    tpu.wait_indirect_dma semaphore(%arg21 : memref<!tpu.dma_semaphore, #tpu.memory_space<semaphore_mem>>) src(%dma_wait3A_159 : memref<8192x1024xf32, #tpu.memory_space<hbm>>) dst(%arg13 : memref<8x1024xf32, #tpu.memory_space<vmem>>)
    %add3A_160 = arith.constant 1016 : i32
    %add3A_161 = arith.addi %mul3A_2, %add3A_160 : i32
    %dma_start3A_162 = arith.constant 0 : i32
    %dma_start3A_163 = tpu.memref_slice %arg4[%add3A_161, %dma_start3A_162] : memref<32768x1024xf32, #tpu.memory_space<hbm>> -> memref<8x1024xf32, #tpu.memory_space<hbm>>
    %dma_start3A_164 = arith.constant 0 : i32
    %dma_start3A_165 = tpu.memref_slice %arg4[%add3A_161, %dma_start3A_164] : memref<32768x1024xf32, #tpu.memory_space<hbm>> -> memref<8x1024xf32, #tpu.memory_space<hbm>>
    tpu.enqueue_dma source(%arg13 : memref<8x1024xf32, #tpu.memory_space<vmem>>) target(%dma_start3A_165 : memref<8x1024xf32, #tpu.memory_space<hbm>>) target_semaphore(%arg29 : memref<!tpu.dma_semaphore, #tpu.memory_space<semaphore_mem>>)
    %add3A_166 = arith.constant 960 : i32
    %add3A_167 = arith.addi %mul3A_2, %add3A_166 : i32
    %dma_wait3A_168 = arith.constant 0 : i32
    %dma_wait3A_169 = tpu.memref_slice %arg4[%add3A_167, %dma_wait3A_168] : memref<32768x1024xf32, #tpu.memory_space<hbm>> -> memref<8x1024xf32, #tpu.memory_space<hbm>>
    %dma_wait3A_170 = arith.constant 0 : i32
    %dma_wait3A_171 = tpu.memref_slice %arg4[%add3A_167, %dma_wait3A_170] : memref<32768x1024xf32, #tpu.memory_space<hbm>> -> memref<8x1024xf32, #tpu.memory_space<hbm>>
    tpu.wait_dma2 semaphore(%arg22 : memref<!tpu.dma_semaphore, #tpu.memory_space<semaphore_mem>>) src(%arg6 : memref<8x1024xf32, #tpu.memory_space<vmem>>) dst(%dma_wait3A_171 : memref<8x1024xf32, #tpu.memory_space<hbm>>)
    %add3A_172 = arith.constant 968 : i32
    %add3A_173 = arith.addi %mul3A_2, %add3A_172 : i32
    %dma_wait3A_174 = arith.constant 0 : i32
    %dma_wait3A_175 = tpu.memref_slice %arg4[%add3A_173, %dma_wait3A_174] : memref<32768x1024xf32, #tpu.memory_space<hbm>> -> memref<8x1024xf32, #tpu.memory_space<hbm>>
    %dma_wait3A_176 = arith.constant 0 : i32
    %dma_wait3A_177 = tpu.memref_slice %arg4[%add3A_173, %dma_wait3A_176] : memref<32768x1024xf32, #tpu.memory_space<hbm>> -> memref<8x1024xf32, #tpu.memory_space<hbm>>
    tpu.wait_dma2 semaphore(%arg23 : memref<!tpu.dma_semaphore, #tpu.memory_space<semaphore_mem>>) src(%arg7 : memref<8x1024xf32, #tpu.memory_space<vmem>>) dst(%dma_wait3A_177 : memref<8x1024xf32, #tpu.memory_space<hbm>>)
    %add3A_178 = arith.constant 976 : i32
    %add3A_179 = arith.addi %mul3A_2, %add3A_178 : i32
    %dma_wait3A_180 = arith.constant 0 : i32
    %dma_wait3A_181 = tpu.memref_slice %arg4[%add3A_179, %dma_wait3A_180] : memref<32768x1024xf32, #tpu.memory_space<hbm>> -> memref<8x1024xf32, #tpu.memory_space<hbm>>
    %dma_wait3A_182 = arith.constant 0 : i32
    %dma_wait3A_183 = tpu.memref_slice %arg4[%add3A_179, %dma_wait3A_182] : memref<32768x1024xf32, #tpu.memory_space<hbm>> -> memref<8x1024xf32, #tpu.memory_space<hbm>>
    tpu.wait_dma2 semaphore(%arg24 : memref<!tpu.dma_semaphore, #tpu.memory_space<semaphore_mem>>) src(%arg8 : memref<8x1024xf32, #tpu.memory_space<vmem>>) dst(%dma_wait3A_183 : memref<8x1024xf32, #tpu.memory_space<hbm>>)
    %add3A_184 = arith.constant 984 : i32
    %add3A_185 = arith.addi %mul3A_2, %add3A_184 : i32
    %dma_wait3A_186 = arith.constant 0 : i32
    %dma_wait3A_187 = tpu.memref_slice %arg4[%add3A_185, %dma_wait3A_186] : memref<32768x1024xf32, #tpu.memory_space<hbm>> -> memref<8x1024xf32, #tpu.memory_space<hbm>>
    %dma_wait3A_188 = arith.constant 0 : i32
    %dma_wait3A_189 = tpu.memref_slice %arg4[%add3A_185, %dma_wait3A_188] : memref<32768x1024xf32, #tpu.memory_space<hbm>> -> memref<8x1024xf32, #tpu.memory_space<hbm>>
    tpu.wait_dma2 semaphore(%arg25 : memref<!tpu.dma_semaphore, #tpu.memory_space<semaphore_mem>>) src(%arg9 : memref<8x1024xf32, #tpu.memory_space<vmem>>) dst(%dma_wait3A_189 : memref<8x1024xf32, #tpu.memory_space<hbm>>)
    %add3A_190 = arith.constant 992 : i32
    %add3A_191 = arith.addi %mul3A_2, %add3A_190 : i32
    %dma_wait3A_192 = arith.constant 0 : i32
    %dma_wait3A_193 = tpu.memref_slice %arg4[%add3A_191, %dma_wait3A_192] : memref<32768x1024xf32, #tpu.memory_space<hbm>> -> memref<8x1024xf32, #tpu.memory_space<hbm>>
    %dma_wait3A_194 = arith.constant 0 : i32
    %dma_wait3A_195 = tpu.memref_slice %arg4[%add3A_191, %dma_wait3A_194] : memref<32768x1024xf32, #tpu.memory_space<hbm>> -> memref<8x1024xf32, #tpu.memory_space<hbm>>
    tpu.wait_dma2 semaphore(%arg26 : memref<!tpu.dma_semaphore, #tpu.memory_space<semaphore_mem>>) src(%arg10 : memref<8x1024xf32, #tpu.memory_space<vmem>>) dst(%dma_wait3A_195 : memref<8x1024xf32, #tpu.memory_space<hbm>>)
    %add3A_196 = arith.constant 1000 : i32
    %add3A_197 = arith.addi %mul3A_2, %add3A_196 : i32
    %dma_wait3A_198 = arith.constant 0 : i32
    %dma_wait3A_199 = tpu.memref_slice %arg4[%add3A_197, %dma_wait3A_198] : memref<32768x1024xf32, #tpu.memory_space<hbm>> -> memref<8x1024xf32, #tpu.memory_space<hbm>>
    %dma_wait3A_200 = arith.constant 0 : i32
    %dma_wait3A_201 = tpu.memref_slice %arg4[%add3A_197, %dma_wait3A_200] : memref<32768x1024xf32, #tpu.memory_space<hbm>> -> memref<8x1024xf32, #tpu.memory_space<hbm>>
    tpu.wait_dma2 semaphore(%arg27 : memref<!tpu.dma_semaphore, #tpu.memory_space<semaphore_mem>>) src(%arg11 : memref<8x1024xf32, #tpu.memory_space<vmem>>) dst(%dma_wait3A_201 : memref<8x1024xf32, #tpu.memory_space<hbm>>)
    %add3A_202 = arith.constant 1008 : i32
    %add3A_203 = arith.addi %mul3A_2, %add3A_202 : i32
    %dma_wait3A_204 = arith.constant 0 : i32
    %dma_wait3A_205 = tpu.memref_slice %arg4[%add3A_203, %dma_wait3A_204] : memref<32768x1024xf32, #tpu.memory_space<hbm>> -> memref<8x1024xf32, #tpu.memory_space<hbm>>
    %dma_wait3A_206 = arith.constant 0 : i32
    %dma_wait3A_207 = tpu.memref_slice %arg4[%add3A_203, %dma_wait3A_206] : memref<32768x1024xf32, #tpu.memory_space<hbm>> -> memref<8x1024xf32, #tpu.memory_space<hbm>>
    tpu.wait_dma2 semaphore(%arg28 : memref<!tpu.dma_semaphore, #tpu.memory_space<semaphore_mem>>) src(%arg12 : memref<8x1024xf32, #tpu.memory_space<vmem>>) dst(%dma_wait3A_207 : memref<8x1024xf32, #tpu.memory_space<hbm>>)
    %add3A_208 = arith.constant 1016 : i32
    %add3A_209 = arith.addi %mul3A_2, %add3A_208 : i32
    %dma_wait3A_210 = arith.constant 0 : i32
    %dma_wait3A_211 = tpu.memref_slice %arg4[%add3A_209, %dma_wait3A_210] : memref<32768x1024xf32, #tpu.memory_space<hbm>> -> memref<8x1024xf32, #tpu.memory_space<hbm>>
    %dma_wait3A_212 = arith.constant 0 : i32
    %dma_wait3A_213 = tpu.memref_slice %arg4[%add3A_209, %dma_wait3A_212] : memref<32768x1024xf32, #tpu.memory_space<hbm>> -> memref<8x1024xf32, #tpu.memory_space<hbm>>
    tpu.wait_dma2 semaphore(%arg29 : memref<!tpu.dma_semaphore, #tpu.memory_space<semaphore_mem>>) src(%arg13 : memref<8x1024xf32, #tpu.memory_space<vmem>>) dst(%dma_wait3A_213 : memref<8x1024xf32, #tpu.memory_space<hbm>>)
    return
  }
}

</mosaic_0001>

<sc_bundles>
// kernel: kernel.3.cloned.1.call-start
scs
__scs_entry_jumppad:
0x0: {  	(pc) =	sbr.rel $0x88, $3  }
0x1: {  	(tag) =	ssettag $0x0;
	lr =	simm.s32 $0x1  }
0x2: {  	[smem:$0x3F9F] =	sst lr;
	_ =	strace $0xD0000000  }
0x3: {  	_ = 	snop  }
0x4: {  	_ = 	snop  }
0x5: {  	_ = 	snop  }
0x6: {  	_ = 	snop  }
0x7: {  	_ = 	snop  }
__scs_overlays_trampoline_lowered:
0x8: {  	[smem:$0x3FAE] =	sst s0  }
0x9: {  	[smem:$0x3FAF] =	sst s1  }
0xa: {  	[smem:$0x3FB0] =	sst s2  }
0xb: {  	[smem:$0x3FB1] =	sst s3  }
0xc: {  	[smem:$0x3FB2] =	sst s4  }
0xd: {  	[smem:$0x3FB3] =	sst s5  }
0xe: {  	[smem:$0x3FB4] =	sst s6  }
0xf: {  	[smem:$0x3FB5] =	sst s7  }
0x10: {  	[smem:$0x3FB6] =	sst s8  }
0x11: {  	[smem:$0x3FB7] =	sst s9;
	s0 =	simm.s32 @!p0 $0x0  }
0x12: {  	s1 =	sld [smem:$0x3F9D];
	s0 =	simm.s32 @p0 $0x1  }
0x13: {  	[smem:$0x3FB8] =	sst s0;
	s0 =	simm.s32 @!p1 $0x0  }
0x14: {  	s2 =	sld [smem:$0x3F9C];
	s0 =	simm.s32 @p1 $0x1  }
0x15: {  	[smem:$0x3FB9] =	sst s0;
	s0 =	simm.s32 @!p2 $0x0  }
0x16: {  	s3 =	sld [smem:$0x3FDB];
	s0 =	simm.s32 @p2 $0x1  }
0x17: {  	s4 =	simm.s32 $0x1BF5;
	[smem:$0x3FBB] =	sst s0  }
0x18: {  	s0 =	sld [smem:$0x3F9E];
	_ =	swait.ge [sflag:s4], $0x0  }
0x19: {  	s7 =	sld [smem:$0x3F9F]  }
0x1a: {  	s8 =	sadd.s32 $0xFFFFE003, lr  }
0x1b: {  	s9 =	sadd.s32 $0xFFFFFEF7, lr;
	s5 =	simm.s32 $0xFFFFFFFF;
	p2 =	slt.u32 s8, $0xFFFFF086  }
0x1c: {  	p1 =	slt.u32 s9, $0xF7A;
	s5 =	simm.s32 @!p2 $0x0  }
0x1d: {  	s5 =	simm.s32 @p1 $0x1;
	p0 =	seq.s32 s7, s2  }
0x1e: {  	s7 =	smul.u32 @!p0 $0xF7A, s2;
	p2 =	seq.s32 @!p0 s5, $0x0  }
0x1f: {  	s9 =	smul.u32 $0xF7A, s1;
	s8 =	simm.s32 @!p0 $0x1BF5;
	p2 =	por !p2, p0  }
0x20: {  	[sflag:s8] =	ssyncset.s32 @!p0 $0xFFFFF086;
	s6 =	sadd.s32 @!p0 s3, s7;
	s7 =	simm.s32 @!p0 $0x108  }
0x21: {  	s3 =	sadd.s32 s3, s9;
	s6 =	sadd.s32 @!p0 $0x88, s6;
	s7 =	simm.s32 @p2 $0x1082  }
0x22: {  	[simem:s7], [sflag:s8] =	dma.local @!p0 [hbm:s6], $0xF7A  }
0x23: {  	s9 =	sor.u32 $0xD0000000, s2;
	s6 =	simm.s32 $0x108;
	_ =	swait.ge @!p0 [sflag:s8], $0x0  }
0x24: {  	s3 =	sadd.s32 $0x88, s3;
	s6 =	simm.s32 @!p1 $0x1082;
	[sflag:s4] =	ssyncset.s32 $0xFFFFF086  }
0x25: {  	[simem:s6], [sflag:s4] =	dma.local [hbm:s3], $0xF7A  }
0x26: {  	[smem:$0x3F9F] =	sst s1;
	(tag) =	ssettag s2;
	_ =	strace s9  }
0x27: {  	s1 =	sld [smem:$0x3FAF]  }
0x28: {  	s2 =	sld [smem:$0x3FB0]  }
0x29: {  	s4 =	sld [smem:$0x3FB2]  }
0x2a: {  	p0 =	seq.s32 s5, $0x0;
	s5 =	sld [smem:$0x3FB3]  }
0x2b: {  	s6 =	sld [smem:$0x3FB4]  }
0x2c: {  	s7 =	sld [smem:$0x3FB5]  }
0x2d: {  	s3 =	simm.s32 $0x108;
	s8 =	sld [smem:$0x3FB6]  }
0x2e: {  	s3 =	simm.s32 @!p0 $0x1082;
	s9 =	sld [smem:$0x3FB7]  }
0x2f: {  	lr =	sadd.s32 s0, s3;
	s0 =	sld [smem:$0x3FAE]  }
0x30: {  	s3 =	sld [smem:$0x3FB1]  }
0x31: {  	[smem:$0x3FBA] =	sst s10  }
0x32: {  	s10 =	sld [smem:$0x3FB8];
	_ =	sdelay $0x3  }
0x33: {  	p0 =	seq.s32 s10, $0x1;
	s10 =	sld [smem:$0x3FBA];
	_ =	sdelay $0x3  }
0x34: {  	[smem:$0x3FBA] =	sst s10  }
0x35: {  	s10 =	sld [smem:$0x3FB9];
	_ =	sdelay $0x3  }
0x36: {  	p1 =	seq.s32 s10, $0x1;
	s10 =	sld [smem:$0x3FBA];
	_ =	sdelay $0x3  }
0x37: {  	[smem:$0x3FBA] =	sst s10  }
0x38: {  	s10 =	sld [smem:$0x3FBB]  }
0x39: {  	_ = 	snop;
	(pc) =	sbr.ind lr, $3  }
0x3a: {  	_ = 	snop  }
0x3b: {  	_ = 	snop  }
0x3c: {  	p2 =	seq.s32 s10, $0x1;
	s10 =	sld [smem:$0x3FBA]  }
0x3d: {  	_ =	shalt  }
0x3e: {  	_ =	shalt  }
0x3f: {  	_ =	shalt  }
0x40: {  	_ =	shalt  }
0x41: {  	_ =	shalt  }
0x42: {  	_ =	shalt  }
0x43: {  	_ =	shalt  }
0x44: {  	_ =	shalt  }
0x45: {  	_ =	shalt  }
0x46: {  	_ =	shalt  }
0x47: {  	_ =	shalt  }
0x48: {  	_ =	shalt  }
0x49: {  	_ =	shalt  }
0x4a: {  	_ =	shalt  }
0x4b: {  	_ =	shalt  }
0x4c: {  	_ =	shalt  }
0x4d: {  	_ =	shalt  }
0x4e: {  	_ =	shalt  }
0x4f: {  	_ =	shalt  }
0x50: {  	_ =	shalt  }
0x51: {  	_ =	shalt  }
0x52: {  	_ =	shalt  }
0x53: {  	_ =	shalt  }
0x54: {  	_ =	shalt  }
0x55: {  	_ =	shalt  }
0x56: {  	_ =	shalt  }
0x57: {  	_ =	shalt  }
0x58: {  	_ =	shalt  }
0x59: {  	_ =	shalt  }
0x5a: {  	_ =	shalt  }
0x5b: {  	_ =	shalt  }
0x5c: {  	_ =	shalt  }
0x5d: {  	_ =	shalt  }
0x5e: {  	_ =	shalt  }
0x5f: {  	_ =	shalt  }
0x60: {  	_ =	shalt  }
0x61: {  	_ =	shalt  }
0x62: {  	_ =	shalt  }
0x63: {  	_ =	shalt  }
0x64: {  	_ =	shalt  }
0x65: {  	_ =	shalt  }
0x66: {  	_ =	shalt  }
0x67: {  	_ =	shalt  }
0x68: {  	_ =	shalt  }
0x69: {  	_ =	shalt  }
0x6a: {  	_ =	shalt  }
0x6b: {  	_ =	shalt  }
0x6c: {  	_ =	shalt  }
0x6d: {  	_ =	shalt  }
0x6e: {  	_ =	shalt  }
0x6f: {  	_ =	shalt  }
0x70: {  	_ =	shalt  }
0x71: {  	_ =	shalt  }
0x72: {  	_ =	shalt  }
0x73: {  	_ =	shalt  }
0x74: {  	_ =	shalt  }
0x75: {  	_ =	shalt  }
0x76: {  	_ =	shalt  }
0x77: {  	_ =	shalt  }
0x78: {  	_ =	shalt  }
0x79: {  	_ =	shalt  }
0x7a: {  	_ =	shalt  }
0x7b: {  	_ =	shalt  }
0x7c: {  	_ =	shalt  }
0x7d: {  	_ =	shalt  }
0x7e: {  	_ =	shalt  }
0x7f: {  	_ =	shalt  }
0x80: {  	_ =	shalt  }
0x81: {  	_ =	shalt  }
0x82: {  	_ =	shalt  }
0x83: {  	_ =	shalt  }
0x84: {  	_ =	shalt  }
0x85: {  	_ =	shalt  }
0x86: {  	_ =	shalt  }
0x87: {  	_ =	shalt  }
.Lfunc_end0:
.L_simem_size_0:
called_computation_lowered:
.L_overlay_start_0:
0x88: {  	s2 =	sld [smem:$0x3FD9]  }
0x89: {  	s3 =	sld [smem:$0x3FFE];
	_ =	sdelay $0x1  }
0x8a: {  	s1 =	srdreg.scid  }
0x8b: {  	s0 =	sand.u32 $0x1, s1  }
0x8c: {  	s17 =	sshll.u32 s0, $0xA;
	s2 =	sadd.s32 s3, s2  }
0x8d: {  	s2 =	sadd.s32 s2, s17  }
0x8e: {  	[smem:$0x3FC6] =	sst s2  }
0x8f: {  	_ = 	snop  }
0x90: {  	s2 =	sld [smem:$0x3FC8]  }
0x91: {  	s18 =	sld [smem:$0x3FD0];
	(tm) =	ssettm $0x1  }
0x92: {  	s4 =	sld [smem:$0x3FFB];
	_ =	sdelay $0x3  }
0x93: {  	_ =	strace s4  }
0x94: {  	s4 =	sld [smem:$0x3FFC];
	_ =	sdelay $0x3  }
0x95: {  	_ =	strace s4  }
0x96: {  	s4 =	sld [smem:$0x3FFD];
	_ =	sdelay $0x3  }
0x97: {  	_ =	strace s4  }
0x98: {  	_ =	strace $0x8FFFFFFF  }
0x99: {  	s19 =	sld [smem:$0x3FDB];
	_ =	sdelay $0x1  }
0x9a: {  	s5 =	simm.s32 $_scs_section_size  }
0x9b: {  	s6 =	simm.s32 $_size__tile_overlayer_lowered;
	s7 =	simm.s32 $_tile_overlayer_lowered  }
0x9c: {  	s22 =	simm.s32 $0x1BFF;
	s21 =	sshll.u32 s7, $0x1;
	s4 =	sadd.s32 s5, s19  }
0x9d: {  	s8 =	simm.s32 $0x0;
	s20 =	sshll.u32 s6, $0x1;
	s6 =	sadd.s32 s21, s4  }
0x9e: {  	[timem:s8], [sflag:s22] =	dma.local [hbm:s6], s20  }
0x9f: {  	_ =	swait.ge [sflag:s22], s20  }
0xa0: {  	s5 =	ssub.s32 $0x0, s20;
	[sflag:s22] =	ssyncset.done $0x0  }
0xa1: {  	[sflag:s22] =	ssyncadd.s32 s5;
	_ =	sdelay $0x1  }
0xa2: {  	s23 =	simm.s32 $0x1B8B  }
0xa3: {  	_ =	swait.ge [sflag:s23], $0x1  }
0xa4: {  	[sflag:s23] =	ssyncset.done $0x0  }
0xa5: {  	s25 =	simm.s32 $0x1B8E;
	s24 =	sld [smem:$0x3FFE];
	[sflag:s23] =	ssyncadd.s32 $0xFFFFFFFF  }
0xa6: {  	s26 =	simm.s32 $execute0_lowered;
	[smem:$0x3FD2] =	sst s25  }
0xa7: {  	s6 =	sshll.u32 s26, $0x1;
	_ =	strace $0x80000046;
	[dreg:$0x1] =	wrdreg $0xFFFFFFFF  }
0xa8: {  	s28 =	simm.s32 $_size_execute0_lowered;
	s4 =	sadd.s32 s4, s6;
	[dreg:$0x0] =	wrdreg $0x0  }
0xa9: {  	s6 =	sshll.u32 s28, $0x1;
	[dreg:$0x2] =	wrdreg s4  }
0xaa: {  	[dreg:$0x3] =	wrdreg s6  }
0xab: {  	[dreg:$0x4] =	wrdreg $0xC0  }
0xac: {  	_ =	task [dreg:s8], $0x5FFFF  }
0xad: {  	[dreg:$0x1] =	wrdreg $0xFFFFFFFF  }
0xae: {  	[dreg:$0x0] =	wrdreg $0x60  }
0xaf: {  	[dreg:$0x2] =	wrdreg s2  }
0xb0: {  	[dreg:$0x3] =	wrdreg s24  }
0xb1: {  	[dreg:$0x4] =	wrdreg s18  }
0xb2: {  	[dreg:$0x5] =	wrdreg $0x9  }
0xb3: {  	_ =	task.clear_ibuf [dreg:s8], $0x6FFFF;
	_ =	strace $0x90000046  }
0xb4: {  	s29 =	simm.s32 $0x9;
	_ =	strace $0x80000048  }
0xb5: {  	_ =	swait.ge [sflag:s29], $0x1  }
0xb6: {  	[sflag:s29] =	ssyncadd.s32 $0xFFFFFFFF  }
0xb7: {  	_ =	strace $0x90000048  }
0xb8: {  	_ =	sfence  }
0xb9: {  	s30 =	sld [smem:$0x0];
	_ =	sdelay $0x2  }
0xba: {  	s31 =	sshll.u32 s1, $0xD;
	s1 =	sshrl.u32 s1, $0x2  }
0xbb: {  	s3 =	sand.u32 $0x4000, s31;
	s1 =	sadd.s32 s1, s30  }
0xbc: {  	s0 =	sor.u32 s3, s0;
	s1 =	sshll.u32 s1, $0x11  }
0xbd: {  	s0 =	sor.u32 s1, s0  }
0xbe: {  	s0 =	sadd.s32 $0x8F2B, s0  }
0xbf: {  	[sflag:s0] =	ssyncadd.remote.s32 $0x1  }
0xc0: {  	_ =	sfence.sel $0xFFFF  }
0xc1: {  	[dreg:$0x0] =	wrdreg $0xFFFFFFFF;
	(pc) =	sbr.abs _section_cstart, $3  }
0xc2: {  	[dreg:$0x1] =	wrdreg $0xFFFFFFFF  }
0xc3: {  	_ =	task.clear_ibuf [dreg:s8], $0x2FFFF;
	_ =	strace $0x9FFFFFFF  }
0xc4: {  	(tm) =	ssettm $0x7FFFFFFF  }
0xc5: {  	_ =	shalt  }
tec
execute0_lowered:
.L_overlay_start_1:
0x0: {  	(tag) =	ssettag $0x1  }
0x1: {  	s1 =	rddreg [dreg:$0x0]  }
0x2: {  	s0 =	rddreg [dreg:$0x1]  }
0x3: {  	s2 =	rddreg [dreg:$0x2]  }
0x4: {  	s3 =	srdreg.scid;
	s9 =	stileid.u32  }
0x5: {  	s12 =	simm.s32 $0x6000;
	s31 =	simm.s32 $0x6800;
	s14 =	simm.s32 $0x7000  }
0x6: {  	s28 =	simm.s32 $0xA800;
	s29 =	simm.s32 $0xC000;
	s30 =	simm.s32 $0xC800  }
0x7: {  	s11 =	simm.s32 $0x12800;
	s13 =	simm.s32 $0x0;
	s15 =	simm.s32 $0x3  }
0x8: {  	s4 =	sand.u32 $0x1, s3;
	s3 =	simm.s32 $0x0;
	s24 =	sshll.u32 s9, $0x11  }
0x9: {  	s5 =	sshll.u32 s4, $0x4;
	[smem:$0x7FF] =	sst s3;
	s6 =	ssub.s32 $0x2, s4  }
0xa: {  	s4 =	sshll.u32 s4, $0x15;
	s5 =	sor.u32 s9, s5;
	_ =	strace $0x80000047  }
0xb: {  	s8 =	sshrl.u32 s6, $0x1;
	s9 =	simm.s32 $0x10800;
	s7 =	sshll.u32 s5, $0xB  }
0xc: {  	s8 =	ssub.s32 s6, s8;
	s16 =	sshll.u32 s5, $0x11;
	s5 =	sadd.s32 $0x100, s1  }
0xd: {  	s6 =	sadd.s32 $0x200, s1;
	s0 =	sadd.s32 s7, s0;
	s25 =	smax.u32 s8, $0x1  }
0xe: {  	s17 =	sadd.s32 s16, s2;
	s0 =	sadd.s32 $0x400, s0;
	[dreg:$0xe] =	wrdreg s25  }
0xf: {  	s7 =	sadd.s32 $0x300, s1;
	s10 =	sadd.s32 $0x1E000, s17;
	[dreg:$0x5] =	wrdreg s0  }
0x10: {  	s2 =	sadd.s32 s4, s2;
	s18 =	sadd.s32 $0x1E400, s17;
	[dreg:$0x6] =	wrdreg s10  }
0x11: {  	s8 =	simm.s32 $0x8000;
	s19 =	sadd.s32 $0x1E800, s17;
	[dreg:$0x7] =	wrdreg s18  }
0x12: {  	s16 =	simm.s32 $0x8800;
	s20 =	sadd.s32 $0x1EC00, s17;
	[dreg:$0x8] =	wrdreg s19  }
0x13: {  	s4 =	simm.s32 $0x10000;
	s21 =	sadd.s32 $0x1F000, s17;
	[dreg:$0x9] =	wrdreg s20  }
0x14: {  	s22 =	sadd.s32 $0x1F400, s17;
	s23 =	sadd.s32 $0x1F800, s17;
	[dreg:$0xa] =	wrdreg s21  }
0x15: {  	s26 =	sadd.s32 s24, s2;
	s24 =	simm.s32 $0x5000;
	[dreg:$0xb] =	wrdreg s22  }
0x16: {  	s25 =	simm.s32 $0x5800;
	s2 =	simm.s32 $0xE800;
	[dreg:$0xc] =	wrdreg s23  }
0x17: {  	s0 =	sadd.s32 $0x1FC00, s17;
	[dreg:$0x4] =	wrdreg s26;
	s22 =	simm.s32 $0x4000  }
0x18: {  	v0 =	vlaneseq.u32;
	s26 =	simm.s32 $0x4800;
	s21 =	simm.s32 $0xA000;
	s10 =	simm.s32 $0x12000  }
0x19: {  	v1 =	vshrl.u32 v0, $0x3;
	s17 =	simm.s32 $0x4;
	s19 =	simm.s32 $0x5;
	s20 =	simm.s32 $0x6  }
0x1a: {  	vm0 =	vmmov $0xffff;
	v0 =	vand.u32 $0x7, v0;
	v1 =	vmul.u32 $0x8, v1;
	s23 =	simm.s32 $0x7;
	[dreg:$0xd] =	wrdreg s0;
	s0 =	simm.s32 $0xE000  }
.LBB2_1:
0x1b: {  	[dreg:$0xf] =	wrdreg s13  }
0x1c: {  	s18 =	rddreg [dreg:$0x5];
	s13 =	simm.s32 $0x11  }
0x1d: {  	[tilespmem:s3], [sflag:$0x11] =	stream.linear.gather [hbm4b:s18+s3], $0x4000, $0x38;
	[tilespmem:$0x14000] =	vst v63  }
0x1e: {  	_ =	swait.ge [sflag:s13], $0x4000  }
0x1f: {  	[sflag:s13] =	ssyncset.done $0x0  }
0x20: {  	[sflag:s13] =	ssyncadd.s32 $0xFFFFC000  }
0x21: {  	v2 =	vld.msk [tilespmem:$0x0], $0xff;
	_ =	sdelay $0x4  }
0x22: {  	v3 =	vshll.u32 v2, $0x3  }
0x23: {  	v2 =	vand.u32 $0x7, v2;
	v3 =	vand.u32 $0xFFFFFFC0, v3  }
0x24: {  	v2 =	vor.u32 v2, v3  }
0x25: {  	v2 =	vperm.xlane v2, v0;
	_ =	sdelay $0x1  }
0x26: {  	v2 =	vadd.s32 v1, v2;
	_ =	sdelay $0x4  }
0x27: {  	[tilespmem:s22], [sflag:$0x1] =	stream.indirect_vreg.gather [hbm4b:s1+s3], $0x80, v2, vm0, $0xb8;
	[tilespmem:$0x14000] =	vst v63  }
0x28: {  	_ = 	snop  }
0x29: {  	[tilespmem:s26], [sflag:$0x1] =	stream.indirect_vreg.gather [hbm4b:s5+s3], $0x80, v2, vm0, $0xb8;
	[tilespmem:$0x14000] =	vst v63  }
0x2a: {  	_ = 	snop  }
0x2b: {  	[tilespmem:s24], [sflag:$0x1] =	stream.indirect_vreg.gather [hbm4b:s6+s3], $0x80, v2, vm0, $0xb8;
	[tilespmem:$0x14000] =	vst v63  }
0x2c: {  	_ = 	snop  }
0x2d: {  	[tilespmem:s25], [sflag:$0x1] =	stream.indirect_vreg.gather [hbm4b:s7+s3], $0x80, v2, vm0, $0xb8;
	[tilespmem:$0x14000] =	vst v63  }
0x2e: {  	v2 =	vld.msk [tilespmem:$0x80], $0xff;
	_ =	sdelay $0x4  }
0x2f: {  	v3 =	vshll.u32 v2, $0x3  }
0x30: {  	v2 =	vand.u32 $0x7, v2;
	v3 =	vand.u32 $0xFFFFFFC0, v3  }
0x31: {  	v2 =	vor.u32 v2, v3  }
0x32: {  	v2 =	vperm.xlane v2, v0;
	_ =	sdelay $0x1  }
0x33: {  	v2 =	vadd.s32 v1, v2;
	_ =	sdelay $0x4  }
0x34: {  	[tilespmem:s12], [sflag:$0x2] =	stream.indirect_vreg.gather [hbm4b:s1+s3], $0x80, v2, vm0, $0xb8;
	[tilespmem:$0x14000] =	vst v63  }
0x35: {  	_ = 	snop  }
0x36: {  	[tilespmem:s31], [sflag:$0x2] =	stream.indirect_vreg.gather [hbm4b:s5+s3], $0x80, v2, vm0, $0xb8;
	[tilespmem:$0x14000] =	vst v63  }
0x37: {  	_ = 	snop  }
0x38: {  	[tilespmem:s14], [sflag:$0x2] =	stream.indirect_vreg.gather [hbm4b:s6+s3], $0x80, v2, vm0, $0xb8;
	[tilespmem:$0x14000] =	vst v63  }
0x39: {  	s13 =	simm.s32 $0x7800  }
0x3a: {  	[tilespmem:s13], [sflag:$0x2] =	stream.indirect_vreg.gather [hbm4b:s7+s3], $0x80, v2, vm0, $0xb8;
	[tilespmem:$0x14000] =	vst v63  }
0x3b: {  	v2 =	vld.msk [tilespmem:$0x100], $0xff;
	_ =	sdelay $0x4  }
0x3c: {  	v3 =	vshll.u32 v2, $0x3  }
0x3d: {  	v2 =	vand.u32 $0x7, v2;
	v3 =	vand.u32 $0xFFFFFFC0, v3  }
0x3e: {  	v2 =	vor.u32 v2, v3  }
0x3f: {  	v2 =	vperm.xlane v2, v0;
	_ =	sdelay $0x1  }
0x40: {  	v2 =	vadd.s32 v1, v2;
	_ =	sdelay $0x4  }
0x41: {  	[tilespmem:s8], [sflag:$0x3] =	stream.indirect_vreg.gather [hbm4b:s1+s3], $0x80, v2, vm0, $0xb8;
	[tilespmem:$0x14000] =	vst v63  }
0x42: {  	_ = 	snop  }
0x43: {  	[tilespmem:s16], [sflag:$0x3] =	stream.indirect_vreg.gather [hbm4b:s5+s3], $0x80, v2, vm0, $0xb8;
	[tilespmem:$0x14000] =	vst v63  }
0x44: {  	s14 =	simm.s32 $0x9000  }
0x45: {  	[tilespmem:s14], [sflag:$0x3] =	stream.indirect_vreg.gather [hbm4b:s6+s3], $0x80, v2, vm0, $0xb8;
	[tilespmem:$0x14000] =	vst v63  }
0x46: {  	s16 =	simm.s32 $0x9800  }
0x47: {  	[tilespmem:s16], [sflag:$0x3] =	stream.indirect_vreg.gather [hbm4b:s7+s3], $0x80, v2, vm0, $0xb8;
	[tilespmem:$0x14000] =	vst v63  }
0x48: {  	v2 =	vld.msk [tilespmem:$0x180], $0xff;
	_ =	sdelay $0x4  }
0x49: {  	v3 =	vshll.u32 v2, $0x3  }
0x4a: {  	v2 =	vand.u32 $0x7, v2;
	v3 =	vand.u32 $0xFFFFFFC0, v3  }
0x4b: {  	v2 =	vor.u32 v2, v3  }
0x4c: {  	v2 =	vperm.xlane v2, v0;
	_ =	sdelay $0x1  }
0x4d: {  	v2 =	vadd.s32 v1, v2;
	_ =	sdelay $0x4  }
0x4e: {  	[tilespmem:s21], [sflag:$0x4] =	stream.indirect_vreg.gather [hbm4b:s1+s3], $0x80, v2, vm0, $0xb8;
	[tilespmem:$0x14000] =	vst v63  }
0x4f: {  	_ = 	snop  }
0x50: {  	[tilespmem:s28], [sflag:$0x4] =	stream.indirect_vreg.gather [hbm4b:s5+s3], $0x80, v2, vm0, $0xb8;
	[tilespmem:$0x14000] =	vst v63  }
0x51: {  	s18 =	simm.s32 $0xB000  }
0x52: {  	[tilespmem:s18], [sflag:$0x4] =	stream.indirect_vreg.gather [hbm4b:s6+s3], $0x80, v2, vm0, $0xb8;
	[tilespmem:$0x14000] =	vst v63  }
0x53: {  	s21 =	simm.s32 $0xB800  }
0x54: {  	[tilespmem:s21], [sflag:$0x4] =	stream.indirect_vreg.gather [hbm4b:s7+s3], $0x80, v2, vm0, $0xb8;
	[tilespmem:$0x14000] =	vst v63  }
0x55: {  	v2 =	vld.msk [tilespmem:$0x200], $0xff;
	_ =	sdelay $0x4  }
0x56: {  	v3 =	vshll.u32 v2, $0x3  }
0x57: {  	v2 =	vand.u32 $0x7, v2;
	v3 =	vand.u32 $0xFFFFFFC0, v3  }
0x58: {  	v2 =	vor.u32 v2, v3  }
0x59: {  	v2 =	vperm.xlane v2, v0;
	_ =	sdelay $0x1  }
0x5a: {  	v2 =	vadd.s32 v1, v2;
	_ =	sdelay $0x4  }
0x5b: {  	[tilespmem:s29], [sflag:$0x5] =	stream.indirect_vreg.gather [hbm4b:s1+s3], $0x80, v2, vm0, $0xb8;
	[tilespmem:$0x14000] =	vst v63  }
0x5c: {  	_ = 	snop  }
0x5d: {  	[tilespmem:s30], [sflag:$0x5] =	stream.indirect_vreg.gather [hbm4b:s5+s3], $0x80, v2, vm0, $0xb8;
	[tilespmem:$0x14000] =	vst v63  }
0x5e: {  	s22 =	simm.s32 $0xD000  }
0x5f: {  	[tilespmem:s22], [sflag:$0x5] =	stream.indirect_vreg.gather [hbm4b:s6+s3], $0x80, v2, vm0, $0xb8;
	[tilespmem:$0x14000] =	vst v63  }
0x60: {  	s24 =	simm.s32 $0xD800  }
0x61: {  	[tilespmem:s24], [sflag:$0x5] =	stream.indirect_vreg.gather [hbm4b:s7+s3], $0x80, v2, vm0, $0xb8;
	[tilespmem:$0x14000] =	vst v63  }
0x62: {  	v2 =	vld.msk [tilespmem:$0x280], $0xff;
	_ =	sdelay $0x4  }
0x63: {  	v3 =	vshll.u32 v2, $0x3  }
0x64: {  	v2 =	vand.u32 $0x7, v2;
	v3 =	vand.u32 $0xFFFFFFC0, v3  }
0x65: {  	v2 =	vor.u32 v2, v3  }
0x66: {  	v2 =	vperm.xlane v2, v0;
	_ =	sdelay $0x1  }
0x67: {  	v2 =	vadd.s32 v1, v2;
	_ =	sdelay $0x4  }
0x68: {  	[tilespmem:s0], [sflag:$0x6] =	stream.indirect_vreg.gather [hbm4b:s1+s3], $0x80, v2, vm0, $0xb8;
	[tilespmem:$0x14000] =	vst v63  }
0x69: {  	_ = 	snop  }
0x6a: {  	[tilespmem:s2], [sflag:$0x6] =	stream.indirect_vreg.gather [hbm4b:s5+s3], $0x80, v2, vm0, $0xb8;
	[tilespmem:$0x14000] =	vst v63  }
0x6b: {  	s25 =	simm.s32 $0xF000  }
0x6c: {  	[tilespmem:s25], [sflag:$0x6] =	stream.indirect_vreg.gather [hbm4b:s6+s3], $0x80, v2, vm0, $0xb8;
	[tilespmem:$0x14000] =	vst v63  }
0x6d: {  	s26 =	simm.s32 $0xF800  }
0x6e: {  	[tilespmem:s26], [sflag:$0x6] =	stream.indirect_vreg.gather [hbm4b:s7+s3], $0x80, v2, vm0, $0xb8;
	[tilespmem:$0x14000] =	vst v63  }
0x6f: {  	v2 =	vld.msk [tilespmem:$0x300], $0xff;
	_ =	sdelay $0x4  }
0x70: {  	v3 =	vshll.u32 v2, $0x3  }
0x71: {  	v2 =	vand.u32 $0x7, v2;
	v3 =	vand.u32 $0xFFFFFFC0, v3  }
0x72: {  	v2 =	vor.u32 v2, v3  }
0x73: {  	v2 =	vperm.xlane v2, v0;
	_ =	sdelay $0x1  }
0x74: {  	v2 =	vadd.s32 v1, v2;
	_ =	sdelay $0x4  }
0x75: {  	[tilespmem:s4], [sflag:$0x7] =	stream.indirect_vreg.gather [hbm4b:s1+s3], $0x80, v2, vm0, $0xb8;
	[tilespmem:$0x14000] =	vst v63  }
0x76: {  	_ = 	snop  }
0x77: {  	[tilespmem:s9], [sflag:$0x7] =	stream.indirect_vreg.gather [hbm4b:s5+s3], $0x80, v2, vm0, $0xb8;
	[tilespmem:$0x14000] =	vst v63  }
0x78: {  	s28 =	simm.s32 $0x11000  }
0x79: {  	[tilespmem:s28], [sflag:$0x7] =	stream.indirect_vreg.gather [hbm4b:s6+s3], $0x80, v2, vm0, $0xb8;
	[tilespmem:$0x14000] =	vst v63  }
0x7a: {  	s29 =	simm.s32 $0x11800  }
0x7b: {  	[tilespmem:s29], [sflag:$0x7] =	stream.indirect_vreg.gather [hbm4b:s7+s3], $0x80, v2, vm0, $0xb8;
	[tilespmem:$0x14000] =	vst v63  }
0x7c: {  	v2 =	vld.msk [tilespmem:$0x380], $0xff;
	_ =	sdelay $0x4  }
0x7d: {  	v3 =	vshll.u32 v2, $0x3  }
0x7e: {  	v2 =	vand.u32 $0x7, v2;
	v3 =	vand.u32 $0xFFFFFFC0, v3  }
0x7f: {  	v2 =	vor.u32 v2, v3  }
0x80: {  	v2 =	vperm.xlane v2, v0;
	_ =	sdelay $0x1  }
0x81: {  	v2 =	vadd.s32 v1, v2;
	_ =	sdelay $0x4  }
0x82: {  	[tilespmem:s10], [sflag:$0x8] =	stream.indirect_vreg.gather [hbm4b:s1+s3], $0x80, v2, vm0, $0xb8;
	[tilespmem:$0x14000] =	vst v63  }
0x83: {  	_ = 	snop  }
0x84: {  	[tilespmem:s11], [sflag:$0x8] =	stream.indirect_vreg.gather [hbm4b:s5+s3], $0x80, v2, vm0, $0xb8;
	[tilespmem:$0x14000] =	vst v63  }
0x85: {  	s31 =	simm.s32 $0x13800;
	s13 =	simm.s32 $0x1;
	s30 =	simm.s32 $0x13000  }
0x86: {  	[tilespmem:s30], [sflag:$0x8] =	stream.indirect_vreg.gather [hbm4b:s6+s3], $0x80, v2, vm0, $0xb8;
	[tilespmem:$0x14000] =	vst v63  }
0x87: {  	s14 =	simm.s32 $0x2;
	s24 =	simm.s32 $0x780;
	s25 =	simm.s32 $0x0  }
0x88: {  	[tilespmem:s31], [sflag:$0x8] =	stream.indirect_vreg.gather [hbm4b:s7+s3], $0x80, v2, vm0, $0xb8;
	[tilespmem:$0x14000] =	vst v63  }
.LBB2_2:
0x89: {  	_ =	swait.ge [sflag:s13], $0x2000  }
0x8a: {  	s18 =	rddreg [dreg:$0x4];
	[sflag:s13] =	ssyncset.done $0x0  }
0x8b: {  	s26 =	simm.s32 $0x4000;
	[sflag:s13] =	ssyncadd.s32 $0xFFFFE000;
	s18 =	sadd.s32 s25, s18  }
0x8c: {  	[hbm4b:s18+s3] =	stream.linear.scatter [tilespmem:s26], [sflag:$0x9], $0x2000, $0x38;
	[tilespmem:$0x14000] =	vst v63  }
0x8d: {  	_ =	swait.ge [sflag:s14], $0x2000  }
0x8e: {  	[sflag:s14] =	ssyncset.done $0x0  }
0x8f: {  	s31 =	simm.s32 $0x6000;
	s22 =	sadd.s32 $0x400, s18;
	[sflag:s14] =	ssyncadd.s32 $0xFFFFE000  }
0x90: {  	[hbm4b:s22+s3] =	stream.linear.scatter [tilespmem:s31], [sflag:$0xA], $0x2000, $0x38;
	[tilespmem:$0x14000] =	vst v63  }
0x91: {  	_ =	swait.ge [sflag:s15], $0x2000  }
0x92: {  	[sflag:s15] =	ssyncset.done $0x0  }
0x93: {  	s16 =	simm.s32 $0x8000;
	s4 =	sadd.s32 $0x800, s18;
	[sflag:s15] =	ssyncadd.s32 $0xFFFFE000  }
0x94: {  	[hbm4b:s4+s3] =	stream.linear.scatter [tilespmem:s16], [sflag:$0xB], $0x2000, $0x38;
	[tilespmem:$0x14000] =	vst v63  }
0x95: {  	_ =	swait.ge [sflag:s17], $0x2000  }
0x96: {  	[sflag:s17] =	ssyncset.done $0x0  }
0x97: {  	s28 =	simm.s32 $0xA000;
	s8 =	sadd.s32 $0xC00, s18;
	[sflag:s17] =	ssyncadd.s32 $0xFFFFE000  }
0x98: {  	[hbm4b:s8+s3] =	stream.linear.scatter [tilespmem:s28], [sflag:$0xC], $0x2000, $0x38;
	[tilespmem:$0x14000] =	vst v63  }
0x99: {  	_ =	swait.ge [sflag:s19], $0x2000  }
0x9a: {  	[sflag:s19] =	ssyncset.done $0x0  }
0x9b: {  	s30 =	simm.s32 $0xC000;
	s9 =	sadd.s32 $0x1000, s18;
	[sflag:s19] =	ssyncadd.s32 $0xFFFFE000  }
0x9c: {  	[hbm4b:s9+s3] =	stream.linear.scatter [tilespmem:s30], [sflag:$0xD], $0x2000, $0x38;
	[tilespmem:$0x14000] =	vst v63  }
0x9d: {  	_ =	swait.ge [sflag:s20], $0x2000  }
0x9e: {  	[sflag:s20] =	ssyncset.done $0x0  }
0x9f: {  	s2 =	simm.s32 $0xE000;
	s10 =	sadd.s32 $0x1400, s18;
	[sflag:s20] =	ssyncadd.s32 $0xFFFFE000  }
0xa0: {  	[hbm4b:s10+s3] =	stream.linear.scatter [tilespmem:s2], [sflag:$0xE], $0x2000, $0x38;
	[tilespmem:$0x14000] =	vst v63  }
0xa1: {  	_ =	swait.ge [sflag:s23], $0x2000  }
0xa2: {  	s0 =	simm.s32 $0x8;
	[sflag:s23] =	ssyncset.done $0x0  }
0xa3: {  	s11 =	sadd.s32 $0x1800, s18;
	s9 =	simm.s32 $0x10000;
	[sflag:s23] =	ssyncadd.s32 $0xFFFFE000  }
0xa4: {  	[hbm4b:s11+s3] =	stream.linear.scatter [tilespmem:s9], [sflag:$0xF], $0x2000, $0x38;
	[tilespmem:$0x14000] =	vst v63  }
0xa5: {  	_ =	swait.ge [sflag:s0], $0x2000  }
0xa6: {  	s12 =	simm.s32 $0x9;
	[sflag:s0] =	ssyncset.done $0x0  }
0xa7: {  	s18 =	sadd.s32 $0x1C00, s18;
	s11 =	simm.s32 $0x12000;
	[sflag:s0] =	ssyncadd.s32 $0xFFFFE000  }
0xa8: {  	[hbm4b:s18+s3] =	stream.linear.scatter [tilespmem:s11], [sflag:$0x10], $0x2000, $0x38;
	[tilespmem:$0x14000] =	vst v63  }
0xa9: {  	_ =	swait.ge [sflag:s12], $0x2000  }
0xaa: {  	[sflag:s12] =	ssyncset.done $0x0  }
0xab: {  	[sflag:s12] =	ssyncadd.s32 $0xFFFFE000  }
0xac: {  	v2 =	vld.msk [tilespmem:s24+$0xFFFFFC80], $0xff;
	_ =	sdelay $0x4  }
0xad: {  	v3 =	vshll.u32 v2, $0x3  }
0xae: {  	v2 =	vand.u32 $0x7, v2;
	v3 =	vand.u32 $0xFFFFFFC0, v3  }
0xaf: {  	v2 =	vor.u32 v2, v3  }
0xb0: {  	v2 =	vperm.xlane v2, v0;
	_ =	sdelay $0x1  }
0xb1: {  	v2 =	vadd.s32 v1, v2;
	_ =	sdelay $0x4  }
0xb2: {  	[tilespmem:s26], [sflag:$0x1] =	stream.indirect_vreg.gather [hbm4b:s1+s3], $0x80, v2, vm0, $0xb8;
	[tilespmem:$0x14000] =	vst v63  }
0xb3: {  	s26 =	simm.s32 $0x4800  }
0xb4: {  	[tilespmem:s26], [sflag:$0x1] =	stream.indirect_vreg.gather [hbm4b:s5+s3], $0x80, v2, vm0, $0xb8;
	[tilespmem:$0x14000] =	vst v63  }
0xb5: {  	s18 =	simm.s32 $0x5000  }
0xb6: {  	[tilespmem:s18], [sflag:$0x1] =	stream.indirect_vreg.gather [hbm4b:s6+s3], $0x80, v2, vm0, $0xb8;
	[tilespmem:$0x14000] =	vst v63  }
0xb7: {  	s21 =	simm.s32 $0x5800;
	s4 =	simm.s32 $0xA  }
0xb8: {  	[tilespmem:s21], [sflag:$0x1] =	stream.indirect_vreg.gather [hbm4b:s7+s3], $0x80, v2, vm0, $0xb8;
	[tilespmem:$0x14000] =	vst v63  }
0xb9: {  	_ =	swait.ge [sflag:s4], $0x2000  }
0xba: {  	[sflag:s4] =	ssyncset.done $0x0  }
0xbb: {  	[sflag:s4] =	ssyncadd.s32 $0xFFFFE000  }
0xbc: {  	v2 =	vld.msk [tilespmem:s24+$0xFFFFFD00], $0xff;
	_ =	sdelay $0x4  }
0xbd: {  	v3 =	vshll.u32 v2, $0x3  }
0xbe: {  	v2 =	vand.u32 $0x7, v2;
	v3 =	vand.u32 $0xFFFFFFC0, v3  }
0xbf: {  	v2 =	vor.u32 v2, v3  }
0xc0: {  	v2 =	vperm.xlane v2, v0;
	_ =	sdelay $0x1  }
0xc1: {  	v2 =	vadd.s32 v1, v2;
	_ =	sdelay $0x4  }
0xc2: {  	[tilespmem:s31], [sflag:$0x2] =	stream.indirect_vreg.gather [hbm4b:s1+s3], $0x80, v2, vm0, $0xb8;
	[tilespmem:$0x14000] =	vst v63  }
0xc3: {  	s31 =	simm.s32 $0x6800  }
0xc4: {  	[tilespmem:s31], [sflag:$0x2] =	stream.indirect_vreg.gather [hbm4b:s5+s3], $0x80, v2, vm0, $0xb8;
	[tilespmem:$0x14000] =	vst v63  }
0xc5: {  	s8 =	simm.s32 $0x7000  }
0xc6: {  	[tilespmem:s8], [sflag:$0x2] =	stream.indirect_vreg.gather [hbm4b:s6+s3], $0x80, v2, vm0, $0xb8;
	[tilespmem:$0x14000] =	vst v63  }
0xc7: {  	s10 =	simm.s32 $0x7800;
	s18 =	simm.s32 $0xB  }
0xc8: {  	[tilespmem:s10], [sflag:$0x2] =	stream.indirect_vreg.gather [hbm4b:s7+s3], $0x80, v2, vm0, $0xb8;
	[tilespmem:$0x14000] =	vst v63  }
0xc9: {  	_ =	swait.ge [sflag:s18], $0x2000  }
0xca: {  	[sflag:s18] =	ssyncset.done $0x0  }
0xcb: {  	[sflag:s18] =	ssyncadd.s32 $0xFFFFE000  }
0xcc: {  	v2 =	vld.msk [tilespmem:s24+$0xFFFFFD80], $0xff;
	_ =	sdelay $0x4  }
0xcd: {  	v3 =	vshll.u32 v2, $0x3  }
0xce: {  	v2 =	vand.u32 $0x7, v2;
	v3 =	vand.u32 $0xFFFFFFC0, v3  }
0xcf: {  	v2 =	vor.u32 v2, v3  }
0xd0: {  	v2 =	vperm.xlane v2, v0;
	_ =	sdelay $0x1  }
0xd1: {  	v2 =	vadd.s32 v1, v2;
	_ =	sdelay $0x4  }
0xd2: {  	[tilespmem:s16], [sflag:$0x3] =	stream.indirect_vreg.gather [hbm4b:s1+s3], $0x80, v2, vm0, $0xb8;
	[tilespmem:$0x14000] =	vst v63  }
0xd3: {  	s16 =	simm.s32 $0x8800  }
0xd4: {  	[tilespmem:s16], [sflag:$0x3] =	stream.indirect_vreg.gather [hbm4b:s5+s3], $0x80, v2, vm0, $0xb8;
	[tilespmem:$0x14000] =	vst v63  }
0xd5: {  	s21 =	simm.s32 $0x9000  }
0xd6: {  	[tilespmem:s21], [sflag:$0x3] =	stream.indirect_vreg.gather [hbm4b:s6+s3], $0x80, v2, vm0, $0xb8;
	[tilespmem:$0x14000] =	vst v63  }
0xd7: {  	s4 =	simm.s32 $0x9800;
	s10 =	simm.s32 $0xC  }
0xd8: {  	[tilespmem:s4], [sflag:$0x3] =	stream.indirect_vreg.gather [hbm4b:s7+s3], $0x80, v2, vm0, $0xb8;
	[tilespmem:$0x14000] =	vst v63  }
0xd9: {  	_ =	swait.ge [sflag:s10], $0x2000  }
0xda: {  	[sflag:s10] =	ssyncset.done $0x0  }
0xdb: {  	[sflag:s10] =	ssyncadd.s32 $0xFFFFE000  }
0xdc: {  	v2 =	vld.msk [tilespmem:s24+$0xFFFFFE00], $0xff;
	_ =	sdelay $0x4  }
0xdd: {  	v3 =	vshll.u32 v2, $0x3  }
0xde: {  	v2 =	vand.u32 $0x7, v2;
	v3 =	vand.u32 $0xFFFFFFC0, v3  }
0xdf: {  	v2 =	vor.u32 v2, v3  }
0xe0: {  	v2 =	vperm.xlane v2, v0;
	_ =	sdelay $0x1  }
0xe1: {  	v2 =	vadd.s32 v1, v2;
	_ =	sdelay $0x4  }
0xe2: {  	[tilespmem:s28], [sflag:$0x4] =	stream.indirect_vreg.gather [hbm4b:s1+s3], $0x80, v2, vm0, $0xb8;
	[tilespmem:$0x14000] =	vst v63  }
0xe3: {  	s28 =	simm.s32 $0xA800  }
0xe4: {  	[tilespmem:s28], [sflag:$0x4] =	stream.indirect_vreg.gather [hbm4b:s5+s3], $0x80, v2, vm0, $0xb8;
	[tilespmem:$0x14000] =	vst v63  }
0xe5: {  	s18 =	simm.s32 $0xB000  }
0xe6: {  	[tilespmem:s18], [sflag:$0x4] =	stream.indirect_vreg.gather [hbm4b:s6+s3], $0x80, v2, vm0, $0xb8;
	[tilespmem:$0x14000] =	vst v63  }
0xe7: {  	s4 =	simm.s32 $0xB800;
	s10 =	simm.s32 $0xD  }
0xe8: {  	[tilespmem:s4], [sflag:$0x4] =	stream.indirect_vreg.gather [hbm4b:s7+s3], $0x80, v2, vm0, $0xb8;
	[tilespmem:$0x14000] =	vst v63  }
0xe9: {  	_ =	swait.ge [sflag:s10], $0x2000  }
0xea: {  	[sflag:s10] =	ssyncset.done $0x0  }
0xeb: {  	[sflag:s10] =	ssyncadd.s32 $0xFFFFE000  }
0xec: {  	v2 =	vld.msk [tilespmem:s24+$0xFFFFFE80], $0xff;
	_ =	sdelay $0x4  }
0xed: {  	v3 =	vshll.u32 v2, $0x3  }
0xee: {  	v2 =	vand.u32 $0x7, v2;
	v3 =	vand.u32 $0xFFFFFFC0, v3  }
0xef: {  	v2 =	vor.u32 v2, v3  }
0xf0: {  	v2 =	vperm.xlane v2, v0;
	_ =	sdelay $0x1  }
0xf1: {  	v2 =	vadd.s32 v1, v2;
	_ =	sdelay $0x4  }
0xf2: {  	[tilespmem:s30], [sflag:$0x5] =	stream.indirect_vreg.gather [hbm4b:s1+s3], $0x80, v2, vm0, $0xb8;
	[tilespmem:$0x14000] =	vst v63  }
0xf3: {  	s30 =	simm.s32 $0xC800  }
0xf4: {  	[tilespmem:s30], [sflag:$0x5] =	stream.indirect_vreg.gather [hbm4b:s5+s3], $0x80, v2, vm0, $0xb8;
	[tilespmem:$0x14000] =	vst v63  }
0xf5: {  	s18 =	simm.s32 $0xD000  }
0xf6: {  	[tilespmem:s18], [sflag:$0x5] =	stream.indirect_vreg.gather [hbm4b:s6+s3], $0x80, v2, vm0, $0xb8;
	[tilespmem:$0x14000] =	vst v63  }
0xf7: {  	s4 =	simm.s32 $0xD800;
	s10 =	simm.s32 $0xE  }
0xf8: {  	[tilespmem:s4], [sflag:$0x5] =	stream.indirect_vreg.gather [hbm4b:s7+s3], $0x80, v2, vm0, $0xb8;
	[tilespmem:$0x14000] =	vst v63  }
0xf9: {  	_ =	swait.ge [sflag:s10], $0x2000  }
0xfa: {  	[sflag:s10] =	ssyncset.done $0x0  }
0xfb: {  	[sflag:s10] =	ssyncadd.s32 $0xFFFFE000  }
0xfc: {  	v2 =	vld.msk [tilespmem:s24+$0xFFFFFF00], $0xff;
	_ =	sdelay $0x4  }
0xfd: {  	v3 =	vshll.u32 v2, $0x3  }
0xfe: {  	v2 =	vand.u32 $0x7, v2;
	v3 =	vand.u32 $0xFFFFFFC0, v3  }
0xff: {  	v2 =	vor.u32 v2, v3  }
0x100: {  	v2 =	vperm.xlane v2, v0;
	_ =	sdelay $0x1  }
0x101: {  	v2 =	vadd.s32 v1, v2;
	_ =	sdelay $0x4  }
0x102: {  	[tilespmem:s2], [sflag:$0x6] =	stream.indirect_vreg.gather [hbm4b:s1+s3], $0x80, v2, vm0, $0xb8;
	[tilespmem:$0x14000] =	vst v63  }
0x103: {  	s2 =	simm.s32 $0xE800  }
0x104: {  	[tilespmem:s2], [sflag:$0x6] =	stream.indirect_vreg.gather [hbm4b:s5+s3], $0x80, v2, vm0, $0xb8;
	[tilespmem:$0x14000] =	vst v63  }
0x105: {  	s4 =	simm.s32 $0xF000  }
0x106: {  	[tilespmem:s4], [sflag:$0x6] =	stream.indirect_vreg.gather [hbm4b:s6+s3], $0x80, v2, vm0, $0xb8;
	[tilespmem:$0x14000] =	vst v63  }
0x107: {  	s18 =	simm.s32 $0xF800;
	s10 =	simm.s32 $0xF  }
0x108: {  	[tilespmem:s18], [sflag:$0x6] =	stream.indirect_vreg.gather [hbm4b:s7+s3], $0x80, v2, vm0, $0xb8;
	[tilespmem:$0x14000] =	vst v63  }
0x109: {  	_ =	swait.ge [sflag:s10], $0x2000  }
0x10a: {  	[sflag:s10] =	ssyncset.done $0x0  }
0x10b: {  	[sflag:s10] =	ssyncadd.s32 $0xFFFFE000  }
0x10c: {  	v2 =	vld.msk [tilespmem:s24+$0xFFFFFF80], $0xff;
	_ =	sdelay $0x4  }
0x10d: {  	v3 =	vshll.u32 v2, $0x3  }
0x10e: {  	v2 =	vand.u32 $0x7, v2;
	v3 =	vand.u32 $0xFFFFFFC0, v3  }
0x10f: {  	v2 =	vor.u32 v2, v3  }
0x110: {  	v2 =	vperm.xlane v2, v0;
	_ =	sdelay $0x1  }
0x111: {  	v2 =	vadd.s32 v1, v2;
	_ =	sdelay $0x4  }
0x112: {  	[tilespmem:s9], [sflag:$0x7] =	stream.indirect_vreg.gather [hbm4b:s1+s3], $0x80, v2, vm0, $0xb8;
	[tilespmem:$0x14000] =	vst v63  }
0x113: {  	s9 =	simm.s32 $0x10800  }
0x114: {  	[tilespmem:s9], [sflag:$0x7] =	stream.indirect_vreg.gather [hbm4b:s5+s3], $0x80, v2, vm0, $0xb8;
	[tilespmem:$0x14000] =	vst v63  }
0x115: {  	s10 =	simm.s32 $0x11000  }
0x116: {  	[tilespmem:s10], [sflag:$0x7] =	stream.indirect_vreg.gather [hbm4b:s6+s3], $0x80, v2, vm0, $0xb8;
	[tilespmem:$0x14000] =	vst v63  }
0x117: {  	s18 =	simm.s32 $0x11800  }
0x118: {  	[tilespmem:s18], [sflag:$0x7] =	stream.indirect_vreg.gather [hbm4b:s7+s3], $0x80, v2, vm0, $0xb8;
	[tilespmem:$0x14000] =	vst v63  }
0x119: {  	s18 =	simm.s32 $0x10  }
0x11a: {  	_ =	swait.ge [sflag:s18], $0x2000  }
0x11b: {  	[sflag:s18] =	ssyncset.done $0x0  }
0x11c: {  	[sflag:s18] =	ssyncadd.s32 $0xFFFFE000  }
0x11d: {  	v2 =	vld.msk [tilespmem:s24+$0x0], $0xff;
	_ =	sdelay $0x4  }
0x11e: {  	v3 =	vshll.u32 v2, $0x3  }
0x11f: {  	v2 =	vand.u32 $0x7, v2;
	v3 =	vand.u32 $0xFFFFFFC0, v3  }
0x120: {  	v2 =	vor.u32 v2, v3  }
0x121: {  	v2 =	vperm.xlane v2, v0;
	_ =	sdelay $0x1  }
0x122: {  	v2 =	vadd.s32 v1, v2;
	_ =	sdelay $0x3  }
0x123: {  	s29 =	simm.s32 $0xC000;
	p0 =	sne.s32 s25, $0x1C000;
	s25 =	sadd.s32 $0x2000, s25  }
0x124: {  	[tilespmem:s11], [sflag:$0x8] =	stream.indirect_vreg.gather [hbm4b:s1+s3], $0x80, v2, vm0, $0xb8;
	[tilespmem:$0x14000] =	vst v63  }
0x125: {  	s22 =	simm.s32 $0x4000;
	s0 =	simm.s32 $0xE000;
	s11 =	simm.s32 $0x12800  }
0x126: {  	[tilespmem:s11], [sflag:$0x8] =	stream.indirect_vreg.gather [hbm4b:s5+s3], $0x80, v2, vm0, $0xb8;
	[tilespmem:$0x14000] =	vst v63  }
.Ltmp0:
0x127: {  	s12 =	simm.s32 $0x6000;
	s8 =	simm.s32 $0x8000;
	(pc) =	sbr.rel @p0 .LBB2_2-.Ltmp0, $4  }
0x128: {  	s21 =	simm.s32 $0xA000;
	s4 =	simm.s32 $0x10000;
	s18 =	simm.s32 $0x13000  }
0x129: {  	[tilespmem:s18], [sflag:$0x8] =	stream.indirect_vreg.gather [hbm4b:s6+s3], $0x80, v2, vm0, $0xb8;
	[tilespmem:$0x14000] =	vst v63  }
0x12a: {  	s10 =	simm.s32 $0x12000;
	s24 =	sadd.s32 $0x400, s24;
	s18 =	simm.s32 $0x13800  }
0x12b: {  	[tilespmem:s18], [sflag:$0x8] =	stream.indirect_vreg.gather [hbm4b:s7+s3], $0x80, v2, vm0, $0xb8;
	[tilespmem:$0x14000] =	vst v63  }
0x12c: {  	_ =	swait.ge [sflag:s13], $0x2000  }
0x12d: {  	[sflag:s13] =	ssyncset.done $0x0  }
0x12e: {  	s18 =	rddreg [dreg:$0x6];
	[sflag:s13] =	ssyncadd.s32 $0xFFFFE000  }
0x12f: {  	[hbm4b:s18+s3] =	stream.linear.scatter [tilespmem:s22], [sflag:$0x9], $0x2000, $0x38;
	[tilespmem:$0x14000] =	vst v63  }
0x130: {  	_ =	swait.ge [sflag:s14], $0x2000  }
0x131: {  	[sflag:s14] =	ssyncset.done $0x0  }
0x132: {  	s13 =	rddreg [dreg:$0x7];
	[sflag:s14] =	ssyncadd.s32 $0xFFFFE000  }
0x133: {  	[hbm4b:s13+s3] =	stream.linear.scatter [tilespmem:s12], [sflag:$0xA], $0x2000, $0x38;
	[tilespmem:$0x14000] =	vst v63  }
0x134: {  	_ =	swait.ge [sflag:s15], $0x2000  }
0x135: {  	[sflag:s15] =	ssyncset.done $0x0  }
0x136: {  	s14 =	rddreg [dreg:$0x8];
	[sflag:s15] =	ssyncadd.s32 $0xFFFFE000  }
0x137: {  	[hbm4b:s14+s3] =	stream.linear.scatter [tilespmem:s8], [sflag:$0xB], $0x2000, $0x38;
	[tilespmem:$0x14000] =	vst v63  }
0x138: {  	_ =	swait.ge [sflag:s17], $0x2000  }
0x139: {  	[sflag:s17] =	ssyncset.done $0x0  }
0x13a: {  	s24 =	rddreg [dreg:$0x9];
	[sflag:s17] =	ssyncadd.s32 $0xFFFFE000  }
0x13b: {  	[hbm4b:s24+s3] =	stream.linear.scatter [tilespmem:s21], [sflag:$0xC], $0x2000, $0x38;
	[tilespmem:$0x14000] =	vst v63  }
0x13c: {  	_ =	swait.ge [sflag:s19], $0x2000  }
0x13d: {  	[sflag:s19] =	ssyncset.done $0x0  }
0x13e: {  	s25 =	rddreg [dreg:$0xa];
	[sflag:s19] =	ssyncadd.s32 $0xFFFFE000  }
0x13f: {  	[hbm4b:s25+s3] =	stream.linear.scatter [tilespmem:s29], [sflag:$0xD], $0x2000, $0x38;
	[tilespmem:$0x14000] =	vst v63  }
0x140: {  	_ =	swait.ge [sflag:s20], $0x2000  }
0x141: {  	[sflag:s20] =	ssyncset.done $0x0  }
0x142: {  	s13 =	rddreg [dreg:$0xb];
	[sflag:s20] =	ssyncadd.s32 $0xFFFFE000  }
0x143: {  	[hbm4b:s13+s3] =	stream.linear.scatter [tilespmem:s0], [sflag:$0xE], $0x2000, $0x38;
	[tilespmem:$0x14000] =	vst v63  }
0x144: {  	_ =	swait.ge [sflag:s23], $0x2000  }
0x145: {  	[sflag:s23] =	ssyncset.done $0x0  }
0x146: {  	s18 =	simm.s32 $0x8;
	s14 =	rddreg [dreg:$0xc];
	[sflag:s23] =	ssyncadd.s32 $0xFFFFE000  }
0x147: {  	[hbm4b:s14+s3] =	stream.linear.scatter [tilespmem:s4], [sflag:$0xF], $0x2000, $0x38;
	[tilespmem:$0x14000] =	vst v63  }
0x148: {  	_ =	swait.ge [sflag:s18], $0x2000  }
0x149: {  	[sflag:s18] =	ssyncset.done $0x0  }
0x14a: {  	s25 =	simm.s32 $0x9;
	s24 =	rddreg [dreg:$0xd];
	[sflag:s18] =	ssyncadd.s32 $0xFFFFE000  }
0x14b: {  	[hbm4b:s24+s3] =	stream.linear.scatter [tilespmem:s10], [sflag:$0x10], $0x2000, $0x38;
	[tilespmem:$0x14000] =	vst v63  }
0x14c: {  	_ =	swait.ge [sflag:s25], $0x2000  }
0x14d: {  	[sflag:s25] =	ssyncset.done $0x0  }
0x14e: {  	s14 =	simm.s32 $0xA;
	[sflag:s25] =	ssyncadd.s32 $0xFFFFE000  }
0x14f: {  	_ =	swait.ge [sflag:s14], $0x2000  }
0x150: {  	[sflag:s14] =	ssyncset.done $0x0  }
0x151: {  	s18 =	simm.s32 $0xB;
	[sflag:s14] =	ssyncadd.s32 $0xFFFFE000  }
0x152: {  	_ =	swait.ge [sflag:s18], $0x2000  }
0x153: {  	[sflag:s18] =	ssyncset.done $0x0  }
0x154: {  	s24 =	simm.s32 $0xC;
	[sflag:s18] =	ssyncadd.s32 $0xFFFFE000  }
0x155: {  	_ =	swait.ge [sflag:s24], $0x2000  }
0x156: {  	[sflag:s24] =	ssyncset.done $0x0  }
0x157: {  	s25 =	simm.s32 $0xD;
	[sflag:s24] =	ssyncadd.s32 $0xFFFFE000  }
0x158: {  	_ =	swait.ge [sflag:s25], $0x2000  }
0x159: {  	[sflag:s25] =	ssyncset.done $0x0  }
0x15a: {  	s14 =	simm.s32 $0xE;
	[sflag:s25] =	ssyncadd.s32 $0xFFFFE000  }
0x15b: {  	_ =	swait.ge [sflag:s14], $0x2000  }
0x15c: {  	[sflag:s14] =	ssyncset.done $0x0  }
0x15d: {  	s18 =	simm.s32 $0xF;
	[sflag:s14] =	ssyncadd.s32 $0xFFFFE000  }
0x15e: {  	_ =	swait.ge [sflag:s18], $0x2000  }
0x15f: {  	[sflag:s18] =	ssyncset.done $0x0  }
0x160: {  	s14 =	simm.s32 $0x10;
	[sflag:s18] =	ssyncadd.s32 $0xFFFFE000  }
0x161: {  	_ =	swait.ge [sflag:s14], $0x2000  }
0x162: {  	s24 =	rddreg [dreg:$0xf]  }
0x163: {  	s25 =	rddreg [dreg:$0xe];
	s13 =	sadd.s32 $0x1, s24  }
0x164: {  	p0 =	sne.s32 s13, s25  }
.Ltmp1:
0x165: {  	_ = 	snop;
	(pc) =	sbr.rel @p0 .LBB2_1-.Ltmp1, $4  }
0x166: {  	_ = 	snop  }
0x167: {  	[sflag:s14] =	ssyncset.done $0x0  }
0x168: {  	[sflag:s14] =	ssyncadd.s32 $0xFFFFE000  }
0x169: {  	s24 =	simm.s32 $0x5000;
	s14 =	simm.s32 $0x7000;
	s25 =	simm.s32 $0x5800  }
0x16a: {  	_ =	sfence.sel $0x180000  }
0x16b: {  	[bflag:$0x0] =	sbarrier.arrive $0xFFFF  }
0x16c: {  	_ =	strace $0x90000047  }
0x16d: {  	s0 =	stileid.u32;
	[bflag:$0x2] =	sbarrier.arrive $0xFFFF  }
0x16e: {  	p0 =	sne.s32 s0, $0x0;
	s0 =	rddreg [dreg:$0x3]  }
0x16f: {  	s0 =	sadd.s32 @!p0 $0x100000, s0  }
0x170: {  	[sflag:s0] =	ssyncadd.tile.s32 @!p0 $0x1;
	_ =	shalt  }
.Lfunc_end2:
_tile_overlayer_lowered:
.L_overlay_start_2:
0x171: {  	(tag) =	ssettag $0x2  }
0x172: {  	s0 =	rddreg [dreg:$0x0];
	s2 =	stileid.u32  }
0x173: {  	s1 =	rddreg [dreg:$0x1];
	p0 =	sne.s32 s2, $0x0  }
0x174: {  	s3 =	rddreg [dreg:$0x2];
	[bflag:$0x3] =	sbarrier.arrive $0xFFFF;
	s2 =	simm.s32 @!p0 $0x1C11  }
0x175: {  	[timem:s3], [sflag:s2] =	dma.local @!p0 [hbm:s0], s1  }
0x176: {  	s0 =	simm.s32 @!p0 $0x11  }
0x177: {  	_ =	swait.ge @!p0 [sflag:s0], s1  }
0x178: {  	s1 =	ssub.s32 @!p0 $0x0, s1;
	[sflag:s0] =	ssyncset.done @!p0 $0x0  }
0x179: {  	[sflag:s0] =	ssyncadd.s32 @!p0 s1  }
0x17a: {  	[bflag:$0x3] =	sbarrier.arrive $0xFFFF  }
0x17b: {  	_ =	shalt  }

</sc_bundles>
